<compile_context>
chip_gen: v7x
topology: tpu7x:2x2x1
jax: 0.10.2.dev20260603
libtpu: 0.0.44.dev20260713+nightly
codegen_flags: <defaults>
</compile_context>

<pallas_src>
import jax
import jax.numpy as jnp
from jax import lax
from jax.experimental import pallas as pl
from jax.experimental.pallas import tpu as pltpu
from jax.experimental.pallas import tpu_sc as plsc

D = 64
N = 16384
VOCAB_SZ = 1000000
NC = 2
NS = 16
NW = NC * NS
PER_W = N // NW
ZCH = 16384
TPW = 4 * ZCH
WPAD = NS * TPW
VB = 8192
VTAIL0 = 999424
TAIL = VOCAB_SZ - VTAIL0


def _sc_scatter(ids_hbm, w_hbm, table_hbm, wout_hbm, wsum_hbm,
                idx_v, w_v, zero_v, pv, tbuf, wtail_v, shared_w):
    cid = lax.axis_index("c")
    sid = lax.axis_index("s")
    wid = sid * NC + cid

    pltpu.sync_copy(ids_hbm.at[pl.ds(wid * 4, 4)], idx_v)
    pltpu.sync_copy(w_hbm.at[pl.ds(wid * 4, 4)], w_v)

    zero = jnp.zeros((16,), jnp.float32)

    def zbody(i, carry):
        zero_v[pl.ds(i * 16, 16)] = zero
        return carry

    lax.fori_loop(0, ZCH // 16, zbody, 0)
    for t in range(TPW // ZCH):
        pltpu.sync_copy(zero_v, shared_w.at[pl.ds(sid * TPW + t * ZCH, ZCH)])
    plsc.subcore_barrier()

    for k in range(4):
        pltpu.sync_copy(w_v.at[k], shared_w.at[idx_v.at[k]], add=True)

    wacc = zero
    for k in range(4):
        for l in range(8):
            wacc = wacc + w_v[k, pl.ds(l * 16, 16)]
    pv[pl.ds(0, 16)] = wacc
    for k in range(5, 8):
        pv[pl.ds(k * 16, 16)] = zero

    plsc.subcore_barrier()

    for t in range(TPW // ZCH):
        off = sid * TPW + t * ZCH
        pltpu.sync_copy(shared_w.at[pl.ds(off, ZCH)],
                        wout_hbm.at[cid, pl.ds(off, ZCH)])

    band = sid // 2
    pltpu.sync_copy(table_hbm.at[band, :, pl.ds(VTAIL0, TAIL)], tbuf)
    pltpu.sync_copy(shared_w.at[pl.ds(VTAIL0, TAIL)], wtail_v)
    for j in range(4):
        s_d = (sid % 2) * 4 + j

        def tdot(c, acc):
            return acc + tbuf[s_d, pl.ds(c * 16, 16)] * wtail_v[pl.ds(c * 16, 16)]

        accj = lax.fori_loop(0, TAIL // 16, tdot, zero)
        pv[pl.ds((1 + j) * 16, 16)] = accj
    pltpu.sync_copy(pv, wsum_hbm.at[wid])


NBLK = VTAIL0 // VB


def _tc_matvec(tt_ref, w_ref, out_ref):
    @pl.when(pl.program_id(0) == 0)
    def _():
        out_ref[...] = jnp.zeros_like(out_ref)

    tt = tt_ref[...]
    ws = w_ref[0, :] + w_ref[1, :]
    out_ref[...] += jnp.sum(tt * ws[None, :], axis=1)[None, :]


def kernel(ids, weights, table):
    ids_r = ids.astype(jnp.int32).reshape(NW * 4, 128)
    w_r = weights.reshape(NW * 4, 128)
    table_t = table.T

    table_3d = table_t.reshape(8, 8, VOCAB_SZ)

    mesh = plsc.VectorSubcoreMesh(core_axis_name="c", subcore_axis_name="s")
    w_dense, w_parts = pl.kernel(
        _sc_scatter,
        mesh=mesh,
        out_type=[
            jax.ShapeDtypeStruct((NC, WPAD), jnp.float32),
            jax.ShapeDtypeStruct((NW, 128), jnp.float32),
        ],
        scratch_types=[
            pltpu.VMEM((4, 128), jnp.int32),
            pltpu.VMEM((4, 128), jnp.float32),
            pltpu.VMEM((ZCH,), jnp.float32),
            pltpu.VMEM((128,), jnp.float32),
            pltpu.VMEM((8, TAIL), jnp.float32),
            pltpu.VMEM((TAIL,), jnp.float32),
            pltpu.VMEM_SHARED((WPAD,), jnp.float32),
        ],
    )(ids_r, w_r, table_3d)

    out = pl.pallas_call(
        _tc_matvec,
        grid=(NBLK,),
        in_specs=[
            pl.BlockSpec((D, VB), lambda i: (0, i)),
            pl.BlockSpec((NC, VB), lambda i: (0, i)),
        ],
        out_specs=pl.BlockSpec((1, D), lambda i: (0, 0)),
        out_shape=jax.ShapeDtypeStruct((1, D), jnp.float32),
        compiler_params=pltpu.CompilerParams(
            dimension_semantics=("arbitrary",)),
    )(table_t, w_dense)

    wsum = w_parts[:, :16].sum()
    tails = w_parts[:, 16:80].reshape(NS, NC, 4, 16).sum(axis=(1, 3))
    return (out[0] + tails.reshape(D)) / wsum

# --- scband reference (transcript-rebuilt; emitter-appended) ---
"""Pipeline reference for scband-xbrlembedder-5050881540515 (READ-ONLY COPY).

The authoritative reference and input builder live on the scoring server;
editing this copy changes nothing except your own understanding.
"""

import jax, jax.numpy as jnp
import numpy as np

VOCAB = 1000000
EMBED_DIM = 64
N_IDS = 16384


def setup_inputs(seed: int = 0) -> dict:
    key = jax.random.key(seed)
    k_ids, k_w, k_tab = jax.random.split(key, 3)
    ids = jax.random.randint(k_ids, (N_IDS,), 0, VOCAB, dtype=jnp.int64 if jax.config.jax_enable_x64 else jnp.int32)
    weights = jax.random.uniform(k_w, (N_IDS,), dtype=jnp.float32)
    table = jax.random.normal(k_tab, (VOCAB, EMBED_DIM), dtype=jnp.float32)
    return {"ids": ids, "weights": weights, "table": table}


def reference(ids, weights, table):
    # XBRLEmbedder.combine(ids, weights):
    # vecs = embedding(ids)  -> (n, D) gather
    vecs = jnp.take(table, ids, axis=0)
    # w = weights / weights.sum(); out = (vecs * w[:, None]).sum(0)
    w = weights / jnp.sum(weights)
    out = jnp.sum(vecs * w[:, None], axis=0)
    return out

if __name__ == "__main__":
    import jax
    _d = setup_inputs()
    print(jax.jit(kernel)(*tuple(_d.values())))

</pallas_src>

<mosaic_0001>
#map = affine_map<(d0, d1) -> (0, 0)>
#map1 = affine_map<(d0, d1) -> (0, 0, 0)>
module attributes {stable_mosaic.version = 14 : i64} {
  func.func @_sc_scatter(%arg0: i32, %arg1: i32, %arg2: memref<128x128xi32, #tpu.memory_space<hbm>>, %arg3: memref<128x128xf32, #tpu.memory_space<hbm>>, %arg4: memref<8x8x1000000xf32, #tpu.memory_space<hbm>>, %arg5: memref<2x1048576xf32, #tpu.memory_space<hbm>>, %arg6: memref<32x128xf32, #tpu.memory_space<hbm>>, %arg7: memref<4x128xi32, #tpu.memory_space<vmem>>, %arg8: memref<4x128xf32, #tpu.memory_space<vmem>>, %arg9: memref<16384xf32, #tpu.memory_space<vmem>>, %arg10: memref<128xf32, #tpu.memory_space<vmem>>, %arg11: memref<8x576xf32, #tpu.memory_space<vmem>>, %arg12: memref<576xf32, #tpu.memory_space<vmem>>, %arg13: memref<1048576xf32, #tpu.memory_space<vmem_shared>>) attributes {dimension_semantics = [#tpu.dimension_semantics<core_parallel>, #tpu.dimension_semantics<subcore_parallel>], iteration_bounds = array<i64: 2, 16>, scalar_prefetch = 0 : i64, scratch_operands = 7 : i64, tpu.core_type = #tpu.core_type<sc_vector_subcore>, window_params = [{transform_indices = #map}, {transform_indices = #map}, {transform_indices = #map1}, {transform_indices = #map}, {transform_indices = #map}]} {
    %mul3A = arith.constant 2 : i32
    %mul3A_0 = arith.muli %arg1, %mul3A : i32
    %add3A = arith.addi %mul3A_0, %arg0 : i32
    %mul3A_1 = arith.constant 4 : i32
    %mul3A_2 = arith.muli %add3A, %mul3A_1 : i32
    "tpu.region"() ({
      %run_scoped3A_391 = tpu.sem_alloc : memref<!tpu.dma_semaphore, #tpu.memory_space<semaphore_mem>>
      %dma_start3A = arith.constant 0 : i32
      %dma_start3A_392 = tpu.memref_slice %arg2[%mul3A_2, %dma_start3A] : memref<128x128xi32, #tpu.memory_space<hbm>> -> memref<4x128xi32, #tpu.memory_space<hbm>>
      %dma_start3A_393 = arith.constant 0 : i32
      %dma_start3A_394 = tpu.memref_slice %arg2[%mul3A_2, %dma_start3A_393] : memref<128x128xi32, #tpu.memory_space<hbm>> -> memref<4x128xi32, #tpu.memory_space<hbm>>
      tpu.enqueue_dma source(%dma_start3A_394 : memref<4x128xi32, #tpu.memory_space<hbm>>) target(%arg7 : memref<4x128xi32, #tpu.memory_space<vmem>>) target_semaphore(%run_scoped3A_391 : memref<!tpu.dma_semaphore, #tpu.memory_space<semaphore_mem>>)
      %dma_wait3A = arith.constant 0 : i32
      %dma_wait3A_395 = tpu.memref_slice %arg2[%mul3A_2, %dma_wait3A] : memref<128x128xi32, #tpu.memory_space<hbm>> -> memref<4x128xi32, #tpu.memory_space<hbm>>
      %dma_wait3A_396 = arith.constant 0 : i32
      %dma_wait3A_397 = tpu.memref_slice %arg2[%mul3A_2, %dma_wait3A_396] : memref<128x128xi32, #tpu.memory_space<hbm>> -> memref<4x128xi32, #tpu.memory_space<hbm>>
      tpu.wait_dma2 semaphore(%run_scoped3A_391 : memref<!tpu.dma_semaphore, #tpu.memory_space<semaphore_mem>>) src(%dma_wait3A_397 : memref<4x128xi32, #tpu.memory_space<hbm>>) dst(%arg7 : memref<4x128xi32, #tpu.memory_space<vmem>>)
      tpu.yield
    }) : () -> ()
    %mul3A_3 = arith.constant 4 : i32
    %mul3A_4 = arith.muli %add3A, %mul3A_3 : i32
    "tpu.region"() ({
      %run_scoped3A_391 = tpu.sem_alloc : memref<!tpu.dma_semaphore, #tpu.memory_space<semaphore_mem>>
      %dma_start3A = arith.constant 0 : i32
      %dma_start3A_392 = tpu.memref_slice %arg3[%mul3A_4, %dma_start3A] : memref<128x128xf32, #tpu.memory_space<hbm>> -> memref<4x128xf32, #tpu.memory_space<hbm>>
      %dma_start3A_393 = arith.constant 0 : i32
      %dma_start3A_394 = tpu.memref_slice %arg3[%mul3A_4, %dma_start3A_393] : memref<128x128xf32, #tpu.memory_space<hbm>> -> memref<4x128xf32, #tpu.memory_space<hbm>>
      tpu.enqueue_dma source(%dma_start3A_394 : memref<4x128xf32, #tpu.memory_space<hbm>>) target(%arg8 : memref<4x128xf32, #tpu.memory_space<vmem>>) target_semaphore(%run_scoped3A_391 : memref<!tpu.dma_semaphore, #tpu.memory_space<semaphore_mem>>)
      %dma_wait3A = arith.constant 0 : i32
      %dma_wait3A_395 = tpu.memref_slice %arg3[%mul3A_4, %dma_wait3A] : memref<128x128xf32, #tpu.memory_space<hbm>> -> memref<4x128xf32, #tpu.memory_space<hbm>>
      %dma_wait3A_396 = arith.constant 0 : i32
      %dma_wait3A_397 = tpu.memref_slice %arg3[%mul3A_4, %dma_wait3A_396] : memref<128x128xf32, #tpu.memory_space<hbm>> -> memref<4x128xf32, #tpu.memory_space<hbm>>
      tpu.wait_dma2 semaphore(%run_scoped3A_391 : memref<!tpu.dma_semaphore, #tpu.memory_space<semaphore_mem>>) src(%dma_wait3A_397 : memref<4x128xf32, #tpu.memory_space<hbm>>) dst(%arg8 : memref<4x128xf32, #tpu.memory_space<vmem>>)
      tpu.yield
    }) : () -> ()
    %broadcast_in_dim3A = arith.constant 0.000000e+00 : f32
    %broadcast_in_dim3A_5 = vector.broadcast %broadcast_in_dim3A : f32 to vector<16xf32>
    %scan3A = arith.constant 0 : i32
    %scan3A_6 = arith.constant 0 : i32
    %scan3A_7 = arith.constant 1024 : i32
    %scan3A_8 = arith.addi %scan3A_6, %scan3A_7 : i32
    %scan3A_9 = arith.constant 1 : i32
    scf.for %scan3A_391 = %scan3A_6 to %scan3A_8 step %scan3A_9  : i32 {
      %mul3A_392 = arith.constant 16 : i32
      %mul3A_393 = arith.muli %scan3A_391, %mul3A_392 : i32
      %swap3A_394 = arith.index_cast %mul3A_393 : i32 to index
      %swap3A_395 = tpu.vector_load %arg9[%swap3A_394] {strides = array<i32>} : memref<16384xf32, #tpu.memory_space<vmem>>, vector<16xf32>,
      %swap3A_396 = vector.shape_cast %swap3A_395 : vector<16xf32> to vector<16xf32>
      %swap3A_397 = vector.shape_cast %broadcast_in_dim3A_5 : vector<16xf32> to vector<16xf32>
      tpu.vector_store %arg9[%swap3A_394], %swap3A_397 {strides = array<i32>} : memref<16384xf32, #tpu.memory_space<vmem>>, vector<16xf32>,
    }
    %scan3A_10 = arith.constant 1024 : i32
    %mul3A_11 = arith.constant 65536 : i32
    %mul3A_12 = arith.muli %arg1, %mul3A_11 : i32
    %add3A_13 = arith.constant 0 : i32
    %add3A_14 = arith.addi %mul3A_12, %add3A_13 : i32
    "tpu.region"() ({
      %run_scoped3A_391 = tpu.sem_alloc : memref<!tpu.dma_semaphore, #tpu.memory_space<semaphore_mem>>
      %dma_start3A = tpu.memref_slice %arg13[%add3A_14] : memref<1048576xf32, #tpu.memory_space<vmem_shared>> -> memref<16384xf32, #tpu.memory_space<vmem_shared>>
      %dma_start3A_392 = tpu.memref_slice %arg13[%add3A_14] : memref<1048576xf32, #tpu.memory_space<vmem_shared>> -> memref<16384xf32, #tpu.memory_space<vmem_shared>>
      tpu.enqueue_dma source(%arg9 : memref<16384xf32, #tpu.memory_space<vmem>>) target(%dma_start3A_392 : memref<16384xf32, #tpu.memory_space<vmem_shared>>) target_semaphore(%run_scoped3A_391 : memref<!tpu.dma_semaphore, #tpu.memory_space<semaphore_mem>>)
      %dma_wait3A = tpu.memref_slice %arg13[%add3A_14] : memref<1048576xf32, #tpu.memory_space<vmem_shared>> -> memref<16384xf32, #tpu.memory_space<vmem_shared>>
      %dma_wait3A_393 = tpu.memref_slice %arg13[%add3A_14] : memref<1048576xf32, #tpu.memory_space<vmem_shared>> -> memref<16384xf32, #tpu.memory_space<vmem_shared>>
      tpu.wait_dma2 semaphore(%run_scoped3A_391 : memref<!tpu.dma_semaphore, #tpu.memory_space<semaphore_mem>>) src(%arg9 : memref<16384xf32, #tpu.memory_space<vmem>>) dst(%dma_wait3A_393 : memref<16384xf32, #tpu.memory_space<vmem_shared>>)
      tpu.yield
    }) : () -> ()
    %mul3A_15 = arith.constant 65536 : i32
    %mul3A_16 = arith.muli %arg1, %mul3A_15 : i32
    %add3A_17 = arith.constant 16384 : i32
    %add3A_18 = arith.addi %mul3A_16, %add3A_17 : i32
    "tpu.region"() ({
      %run_scoped3A_391 = tpu.sem_alloc : memref<!tpu.dma_semaphore, #tpu.memory_space<semaphore_mem>>
      %dma_start3A = tpu.memref_slice %arg13[%add3A_18] : memref<1048576xf32, #tpu.memory_space<vmem_shared>> -> memref<16384xf32, #tpu.memory_space<vmem_shared>>
      %dma_start3A_392 = tpu.memref_slice %arg13[%add3A_18] : memref<1048576xf32, #tpu.memory_space<vmem_shared>> -> memref<16384xf32, #tpu.memory_space<vmem_shared>>
      tpu.enqueue_dma source(%arg9 : memref<16384xf32, #tpu.memory_space<vmem>>) target(%dma_start3A_392 : memref<16384xf32, #tpu.memory_space<vmem_shared>>) target_semaphore(%run_scoped3A_391 : memref<!tpu.dma_semaphore, #tpu.memory_space<semaphore_mem>>)
      %dma_wait3A = tpu.memref_slice %arg13[%add3A_18] : memref<1048576xf32, #tpu.memory_space<vmem_shared>> -> memref<16384xf32, #tpu.memory_space<vmem_shared>>
      %dma_wait3A_393 = tpu.memref_slice %arg13[%add3A_18] : memref<1048576xf32, #tpu.memory_space<vmem_shared>> -> memref<16384xf32, #tpu.memory_space<vmem_shared>>
      tpu.wait_dma2 semaphore(%run_scoped3A_391 : memref<!tpu.dma_semaphore, #tpu.memory_space<semaphore_mem>>) src(%arg9 : memref<16384xf32, #tpu.memory_space<vmem>>) dst(%dma_wait3A_393 : memref<16384xf32, #tpu.memory_space<vmem_shared>>)
      tpu.yield
    }) : () -> ()
    %mul3A_19 = arith.constant 65536 : i32
    %mul3A_20 = arith.muli %arg1, %mul3A_19 : i32
    %add3A_21 = arith.constant 32768 : i32
    %add3A_22 = arith.addi %mul3A_20, %add3A_21 : i32
    "tpu.region"() ({
      %run_scoped3A_391 = tpu.sem_alloc : memref<!tpu.dma_semaphore, #tpu.memory_space<semaphore_mem>>
      %dma_start3A = tpu.memref_slice %arg13[%add3A_22] : memref<1048576xf32, #tpu.memory_space<vmem_shared>> -> memref<16384xf32, #tpu.memory_space<vmem_shared>>
      %dma_start3A_392 = tpu.memref_slice %arg13[%add3A_22] : memref<1048576xf32, #tpu.memory_space<vmem_shared>> -> memref<16384xf32, #tpu.memory_space<vmem_shared>>
      tpu.enqueue_dma source(%arg9 : memref<16384xf32, #tpu.memory_space<vmem>>) target(%dma_start3A_392 : memref<16384xf32, #tpu.memory_space<vmem_shared>>) target_semaphore(%run_scoped3A_391 : memref<!tpu.dma_semaphore, #tpu.memory_space<semaphore_mem>>)
      %dma_wait3A = tpu.memref_slice %arg13[%add3A_22] : memref<1048576xf32, #tpu.memory_space<vmem_shared>> -> memref<16384xf32, #tpu.memory_space<vmem_shared>>
      %dma_wait3A_393 = tpu.memref_slice %arg13[%add3A_22] : memref<1048576xf32, #tpu.memory_space<vmem_shared>> -> memref<16384xf32, #tpu.memory_space<vmem_shared>>
      tpu.wait_dma2 semaphore(%run_scoped3A_391 : memref<!tpu.dma_semaphore, #tpu.memory_space<semaphore_mem>>) src(%arg9 : memref<16384xf32, #tpu.memory_space<vmem>>) dst(%dma_wait3A_393 : memref<16384xf32, #tpu.memory_space<vmem_shared>>)
      tpu.yield
    }) : () -> ()
    %mul3A_23 = arith.constant 65536 : i32
    %mul3A_24 = arith.muli %arg1, %mul3A_23 : i32
    %add3A_25 = arith.constant 49152 : i32
    %add3A_26 = arith.addi %mul3A_24, %add3A_25 : i32
    "tpu.region"() ({
      %run_scoped3A_391 = tpu.sem_alloc : memref<!tpu.dma_semaphore, #tpu.memory_space<semaphore_mem>>
      %dma_start3A = tpu.memref_slice %arg13[%add3A_26] : memref<1048576xf32, #tpu.memory_space<vmem_shared>> -> memref<16384xf32, #tpu.memory_space<vmem_shared>>
      %dma_start3A_392 = tpu.memref_slice %arg13[%add3A_26] : memref<1048576xf32, #tpu.memory_space<vmem_shared>> -> memref<16384xf32, #tpu.memory_space<vmem_shared>>
      tpu.enqueue_dma source(%arg9 : memref<16384xf32, #tpu.memory_space<vmem>>) target(%dma_start3A_392 : memref<16384xf32, #tpu.memory_space<vmem_shared>>) target_semaphore(%run_scoped3A_391 : memref<!tpu.dma_semaphore, #tpu.memory_space<semaphore_mem>>)
      %dma_wait3A = tpu.memref_slice %arg13[%add3A_26] : memref<1048576xf32, #tpu.memory_space<vmem_shared>> -> memref<16384xf32, #tpu.memory_space<vmem_shared>>
      %dma_wait3A_393 = tpu.memref_slice %arg13[%add3A_26] : memref<1048576xf32, #tpu.memory_space<vmem_shared>> -> memref<16384xf32, #tpu.memory_space<vmem_shared>>
      tpu.wait_dma2 semaphore(%run_scoped3A_391 : memref<!tpu.dma_semaphore, #tpu.memory_space<semaphore_mem>>) src(%arg9 : memref<16384xf32, #tpu.memory_space<vmem>>) dst(%dma_wait3A_393 : memref<16384xf32, #tpu.memory_space<vmem_shared>>)
      tpu.yield
    }) : () -> ()
    %barrier3A = arith.constant 0 : index
    tpu.barrier barrier_id(%barrier3A)
    %run_scoped3A = arith.constant 0 : i32
    %run_scoped3A_27 = arith.constant 0 : i32
    "tpu.region"() ({
      %run_scoped3A_391 = tpu.sem_alloc : memref<!tpu.dma_semaphore, #tpu.memory_space<semaphore_mem>>
      %dma_start3A = arith.constant 0 : i32
      %dma_start3A_392 = tpu.memref_slice %arg8[%run_scoped3A, %dma_start3A] : memref<4x128xf32, #tpu.memory_space<vmem>> -> memref<1x128xf32, #tpu.memory_space<vmem>>
      %dma_start3A_393 = tpu.memref_squeeze %dma_start3A_392 : memref<1x128xf32, #tpu.memory_space<vmem>> -> memref<128xf32, #tpu.memory_space<vmem>>
      %dma_start3A_394 = arith.constant 0 : i32
      %dma_start3A_395 = tpu.memref_slice %arg7[%run_scoped3A_27, %dma_start3A_394] : memref<4x128xi32, #tpu.memory_space<vmem>> -> memref<1x128xi32, #tpu.memory_space<vmem>>
      %dma_start3A_396 = tpu.memref_squeeze %dma_start3A_395 : memref<1x128xi32, #tpu.memory_space<vmem>> -> memref<128xi32, #tpu.memory_space<vmem>>
      %dma_start3A_397 = arith.constant 0 : i32
      %dma_start3A_398 = tpu.memref_slice %arg13[%dma_start3A_397] : memref<1048576xf32, #tpu.memory_space<vmem_shared>> -> memref<1048576xf32, #tpu.memory_space<vmem_shared>>
      tpu.enqueue_indirect_dma source(%dma_start3A_393 : memref<128xf32, #tpu.memory_space<vmem>>) target(%dma_start3A_398 : memref<1048576xf32, #tpu.memory_space<vmem_shared>>) offsets(%dma_start3A_396 : memref<128xi32, #tpu.memory_space<vmem>>) semaphore(%run_scoped3A_391 : memref<!tpu.dma_semaphore, #tpu.memory_space<semaphore_mem>>) {add = true}
      %dma_wait3A = arith.constant 0 : i32
      %dma_wait3A_399 = tpu.memref_slice %arg8[%run_scoped3A, %dma_wait3A] : memref<4x128xf32, #tpu.memory_space<vmem>> -> memref<1x128xf32, #tpu.memory_space<vmem>>
      %dma_wait3A_400 = tpu.memref_squeeze %dma_wait3A_399 : memref<1x128xf32, #tpu.memory_space<vmem>> -> memref<128xf32, #tpu.memory_space<vmem>>
      %dma_wait3A_401 = arith.constant 0 : i32
      %dma_wait3A_402 = tpu.memref_slice %arg7[%run_scoped3A_27, %dma_wait3A_401] : memref<4x128xi32, #tpu.memory_space<vmem>> -> memref<1x128xi32, #tpu.memory_space<vmem>>
      %dma_wait3A_403 = tpu.memref_squeeze %dma_wait3A_402 : memref<1x128xi32, #tpu.memory_space<vmem>> -> memref<128xi32, #tpu.memory_space<vmem>>
      %dma_wait3A_404 = arith.constant 0 : i32
      %dma_wait3A_405 = tpu.memref_slice %arg13[%dma_wait3A_404] : memref<1048576xf32, #tpu.memory_space<vmem_shared>> -> memref<1048576xf32, #tpu.memory_space<vmem_shared>>
      tpu.wait_indirect_dma semaphore(%run_scoped3A_391 : memref<!tpu.dma_semaphore, #tpu.memory_space<semaphore_mem>>) src(%dma_wait3A_400 : memref<128xf32, #tpu.memory_space<vmem>>) dst(%dma_wait3A_405 : memref<1048576xf32, #tpu.memory_space<vmem_shared>>)
      tpu.yield
    }) : () -> ()
    %run_scoped3A_28 = arith.constant 1 : i32
    %run_scoped3A_29 = arith.constant 1 : i32
    "tpu.region"() ({
      %run_scoped3A_391 = tpu.sem_alloc : memref<!tpu.dma_semaphore, #tpu.memory_space<semaphore_mem>>
      %dma_start3A = arith.constant 0 : i32
      %dma_start3A_392 = tpu.memref_slice %arg8[%run_scoped3A_28, %dma_start3A] : memref<4x128xf32, #tpu.memory_space<vmem>> -> memref<1x128xf32, #tpu.memory_space<vmem>>
      %dma_start3A_393 = tpu.memref_squeeze %dma_start3A_392 : memref<1x128xf32, #tpu.memory_space<vmem>> -> memref<128xf32, #tpu.memory_space<vmem>>
      %dma_start3A_394 = arith.constant 0 : i32
      %dma_start3A_395 = tpu.memref_slice %arg7[%run_scoped3A_29, %dma_start3A_394] : memref<4x128xi32, #tpu.memory_space<vmem>> -> memref<1x128xi32, #tpu.memory_space<vmem>>
      %dma_start3A_396 = tpu.memref_squeeze %dma_start3A_395 : memref<1x128xi32, #tpu.memory_space<vmem>> -> memref<128xi32, #tpu.memory_space<vmem>>
      %dma_start3A_397 = arith.constant 0 : i32
      %dma_start3A_398 = tpu.memref_slice %arg13[%dma_start3A_397] : memref<1048576xf32, #tpu.memory_space<vmem_shared>> -> memref<1048576xf32, #tpu.memory_space<vmem_shared>>
      tpu.enqueue_indirect_dma source(%dma_start3A_393 : memref<128xf32, #tpu.memory_space<vmem>>) target(%dma_start3A_398 : memref<1048576xf32, #tpu.memory_space<vmem_shared>>) offsets(%dma_start3A_396 : memref<128xi32, #tpu.memory_space<vmem>>) semaphore(%run_scoped3A_391 : memref<!tpu.dma_semaphore, #tpu.memory_space<semaphore_mem>>) {add = true}
      %dma_wait3A = arith.constant 0 : i32
      %dma_wait3A_399 = tpu.memref_slice %arg8[%run_scoped3A_28, %dma_wait3A] : memref<4x128xf32, #tpu.memory_space<vmem>> -> memref<1x128xf32, #tpu.memory_space<vmem>>
      %dma_wait3A_400 = tpu.memref_squeeze %dma_wait3A_399 : memref<1x128xf32, #tpu.memory_space<vmem>> -> memref<128xf32, #tpu.memory_space<vmem>>
      %dma_wait3A_401 = arith.constant 0 : i32
      %dma_wait3A_402 = tpu.memref_slice %arg7[%run_scoped3A_29, %dma_wait3A_401] : memref<4x128xi32, #tpu.memory_space<vmem>> -> memref<1x128xi32, #tpu.memory_space<vmem>>
      %dma_wait3A_403 = tpu.memref_squeeze %dma_wait3A_402 : memref<1x128xi32, #tpu.memory_space<vmem>> -> memref<128xi32, #tpu.memory_space<vmem>>
      %dma_wait3A_404 = arith.constant 0 : i32
      %dma_wait3A_405 = tpu.memref_slice %arg13[%dma_wait3A_404] : memref<1048576xf32, #tpu.memory_space<vmem_shared>> -> memref<1048576xf32, #tpu.memory_space<vmem_shared>>
      tpu.wait_indirect_dma semaphore(%run_scoped3A_391 : memref<!tpu.dma_semaphore, #tpu.memory_space<semaphore_mem>>) src(%dma_wait3A_400 : memref<128xf32, #tpu.memory_space<vmem>>) dst(%dma_wait3A_405 : memref<1048576xf32, #tpu.memory_space<vmem_shared>>)
      tpu.yield
    }) : () -> ()
    %run_scoped3A_30 = arith.constant 2 : i32
    %run_scoped3A_31 = arith.constant 2 : i32
    "tpu.region"() ({
      %run_scoped3A_391 = tpu.sem_alloc : memref<!tpu.dma_semaphore, #tpu.memory_space<semaphore_mem>>
      %dma_start3A = arith.constant 0 : i32
      %dma_start3A_392 = tpu.memref_slice %arg8[%run_scoped3A_30, %dma_start3A] : memref<4x128xf32, #tpu.memory_space<vmem>> -> memref<1x128xf32, #tpu.memory_space<vmem>>
      %dma_start3A_393 = tpu.memref_squeeze %dma_start3A_392 : memref<1x128xf32, #tpu.memory_space<vmem>> -> memref<128xf32, #tpu.memory_space<vmem>>
      %dma_start3A_394 = arith.constant 0 : i32
      %dma_start3A_395 = tpu.memref_slice %arg7[%run_scoped3A_31, %dma_start3A_394] : memref<4x128xi32, #tpu.memory_space<vmem>> -> memref<1x128xi32, #tpu.memory_space<vmem>>
      %dma_start3A_396 = tpu.memref_squeeze %dma_start3A_395 : memref<1x128xi32, #tpu.memory_space<vmem>> -> memref<128xi32, #tpu.memory_space<vmem>>
      %dma_start3A_397 = arith.constant 0 : i32
      %dma_start3A_398 = tpu.memref_slice %arg13[%dma_start3A_397] : memref<1048576xf32, #tpu.memory_space<vmem_shared>> -> memref<1048576xf32, #tpu.memory_space<vmem_shared>>
      tpu.enqueue_indirect_dma source(%dma_start3A_393 : memref<128xf32, #tpu.memory_space<vmem>>) target(%dma_start3A_398 : memref<1048576xf32, #tpu.memory_space<vmem_shared>>) offsets(%dma_start3A_396 : memref<128xi32, #tpu.memory_space<vmem>>) semaphore(%run_scoped3A_391 : memref<!tpu.dma_semaphore, #tpu.memory_space<semaphore_mem>>) {add = true}
      %dma_wait3A = arith.constant 0 : i32
      %dma_wait3A_399 = tpu.memref_slice %arg8[%run_scoped3A_30, %dma_wait3A] : memref<4x128xf32, #tpu.memory_space<vmem>> -> memref<1x128xf32, #tpu.memory_space<vmem>>
      %dma_wait3A_400 = tpu.memref_squeeze %dma_wait3A_399 : memref<1x128xf32, #tpu.memory_space<vmem>> -> memref<128xf32, #tpu.memory_space<vmem>>
      %dma_wait3A_401 = arith.constant 0 : i32
      %dma_wait3A_402 = tpu.memref_slice %arg7[%run_scoped3A_31, %dma_wait3A_401] : memref<4x128xi32, #tpu.memory_space<vmem>> -> memref<1x128xi32, #tpu.memory_space<vmem>>
      %dma_wait3A_403 = tpu.memref_squeeze %dma_wait3A_402 : memref<1x128xi32, #tpu.memory_space<vmem>> -> memref<128xi32, #tpu.memory_space<vmem>>
      %dma_wait3A_404 = arith.constant 0 : i32
      %dma_wait3A_405 = tpu.memref_slice %arg13[%dma_wait3A_404] : memref<1048576xf32, #tpu.memory_space<vmem_shared>> -> memref<1048576xf32, #tpu.memory_space<vmem_shared>>
      tpu.wait_indirect_dma semaphore(%run_scoped3A_391 : memref<!tpu.dma_semaphore, #tpu.memory_space<semaphore_mem>>) src(%dma_wait3A_400 : memref<128xf32, #tpu.memory_space<vmem>>) dst(%dma_wait3A_405 : memref<1048576xf32, #tpu.memory_space<vmem_shared>>)
      tpu.yield
    }) : () -> ()
    %run_scoped3A_32 = arith.constant 3 : i32
    %run_scoped3A_33 = arith.constant 3 : i32
    "tpu.region"() ({
      %run_scoped3A_391 = tpu.sem_alloc : memref<!tpu.dma_semaphore, #tpu.memory_space<semaphore_mem>>
      %dma_start3A = arith.constant 0 : i32
      %dma_start3A_392 = tpu.memref_slice %arg8[%run_scoped3A_32, %dma_start3A] : memref<4x128xf32, #tpu.memory_space<vmem>> -> memref<1x128xf32, #tpu.memory_space<vmem>>
      %dma_start3A_393 = tpu.memref_squeeze %dma_start3A_392 : memref<1x128xf32, #tpu.memory_space<vmem>> -> memref<128xf32, #tpu.memory_space<vmem>>
      %dma_start3A_394 = arith.constant 0 : i32
      %dma_start3A_395 = tpu.memref_slice %arg7[%run_scoped3A_33, %dma_start3A_394] : memref<4x128xi32, #tpu.memory_space<vmem>> -> memref<1x128xi32, #tpu.memory_space<vmem>>
      %dma_start3A_396 = tpu.memref_squeeze %dma_start3A_395 : memref<1x128xi32, #tpu.memory_space<vmem>> -> memref<128xi32, #tpu.memory_space<vmem>>
      %dma_start3A_397 = arith.constant 0 : i32
      %dma_start3A_398 = tpu.memref_slice %arg13[%dma_start3A_397] : memref<1048576xf32, #tpu.memory_space<vmem_shared>> -> memref<1048576xf32, #tpu.memory_space<vmem_shared>>
      tpu.enqueue_indirect_dma source(%dma_start3A_393 : memref<128xf32, #tpu.memory_space<vmem>>) target(%dma_start3A_398 : memref<1048576xf32, #tpu.memory_space<vmem_shared>>) offsets(%dma_start3A_396 : memref<128xi32, #tpu.memory_space<vmem>>) semaphore(%run_scoped3A_391 : memref<!tpu.dma_semaphore, #tpu.memory_space<semaphore_mem>>) {add = true}
      %dma_wait3A = arith.constant 0 : i32
      %dma_wait3A_399 = tpu.memref_slice %arg8[%run_scoped3A_32, %dma_wait3A] : memref<4x128xf32, #tpu.memory_space<vmem>> -> memref<1x128xf32, #tpu.memory_space<vmem>>
      %dma_wait3A_400 = tpu.memref_squeeze %dma_wait3A_399 : memref<1x128xf32, #tpu.memory_space<vmem>> -> memref<128xf32, #tpu.memory_space<vmem>>
      %dma_wait3A_401 = arith.constant 0 : i32
      %dma_wait3A_402 = tpu.memref_slice %arg7[%run_scoped3A_33, %dma_wait3A_401] : memref<4x128xi32, #tpu.memory_space<vmem>> -> memref<1x128xi32, #tpu.memory_space<vmem>>
      %dma_wait3A_403 = tpu.memref_squeeze %dma_wait3A_402 : memref<1x128xi32, #tpu.memory_space<vmem>> -> memref<128xi32, #tpu.memory_space<vmem>>
      %dma_wait3A_404 = arith.constant 0 : i32
      %dma_wait3A_405 = tpu.memref_slice %arg13[%dma_wait3A_404] : memref<1048576xf32, #tpu.memory_space<vmem_shared>> -> memref<1048576xf32, #tpu.memory_space<vmem_shared>>
      tpu.wait_indirect_dma semaphore(%run_scoped3A_391 : memref<!tpu.dma_semaphore, #tpu.memory_space<semaphore_mem>>) src(%dma_wait3A_400 : memref<128xf32, #tpu.memory_space<vmem>>) dst(%dma_wait3A_405 : memref<1048576xf32, #tpu.memory_space<vmem_shared>>)
      tpu.yield
    }) : () -> ()
    %get3A = arith.constant 0 : i32
    %get3A_34 = arith.index_cast %get3A : i32 to index
    %get3A_35 = arith.constant 0 : index
    %get3A_36 = tpu.vector_load %arg8[%get3A_34, %get3A_35] {strides = array<i32>} : memref<4x128xf32, #tpu.memory_space<vmem>>, vector<1x16xf32>,
    %get3A_37 = vector.shape_cast %get3A_36 : vector<1x16xf32> to vector<16xf32>
    %add3A_38 = arith.addf %broadcast_in_dim3A_5, %get3A_37 : vector<16xf32>
    %get3A_39 = arith.constant 0 : i32
    %get3A_40 = arith.index_cast %get3A_39 : i32 to index
    %get3A_41 = arith.constant 16 : index
    %get3A_42 = tpu.vector_load %arg8[%get3A_40, %get3A_41] {strides = array<i32>} : memref<4x128xf32, #tpu.memory_space<vmem>>, vector<1x16xf32>,
    %get3A_43 = vector.shape_cast %get3A_42 : vector<1x16xf32> to vector<16xf32>
    %add3A_44 = arith.addf %add3A_38, %get3A_43 : vector<16xf32>
    %get3A_45 = arith.constant 0 : i32
    %get3A_46 = arith.index_cast %get3A_45 : i32 to index
    %get3A_47 = arith.constant 32 : index
    %get3A_48 = tpu.vector_load %arg8[%get3A_46, %get3A_47] {strides = array<i32>} : memref<4x128xf32, #tpu.memory_space<vmem>>, vector<1x16xf32>,
    %get3A_49 = vector.shape_cast %get3A_48 : vector<1x16xf32> to vector<16xf32>
    %add3A_50 = arith.addf %add3A_44, %get3A_49 : vector<16xf32>
    %get3A_51 = arith.constant 0 : i32
    %get3A_52 = arith.index_cast %get3A_51 : i32 to index
    %get3A_53 = arith.constant 48 : index
    %get3A_54 = tpu.vector_load %arg8[%get3A_52, %get3A_53] {strides = array<i32>} : memref<4x128xf32, #tpu.memory_space<vmem>>, vector<1x16xf32>,
    %get3A_55 = vector.shape_cast %get3A_54 : vector<1x16xf32> to vector<16xf32>
    %add3A_56 = arith.addf %add3A_50, %get3A_55 : vector<16xf32>
    %get3A_57 = arith.constant 0 : i32
    %get3A_58 = arith.index_cast %get3A_57 : i32 to index
    %get3A_59 = arith.constant 64 : index
    %get3A_60 = tpu.vector_load %arg8[%get3A_58, %get3A_59] {strides = array<i32>} : memref<4x128xf32, #tpu.memory_space<vmem>>, vector<1x16xf32>,
    %get3A_61 = vector.shape_cast %get3A_60 : vector<1x16xf32> to vector<16xf32>
    %add3A_62 = arith.addf %add3A_56, %get3A_61 : vector<16xf32>
    %get3A_63 = arith.constant 0 : i32
    %get3A_64 = arith.index_cast %get3A_63 : i32 to index
    %get3A_65 = arith.constant 80 : index
    %get3A_66 = tpu.vector_load %arg8[%get3A_64, %get3A_65] {strides = array<i32>} : memref<4x128xf32, #tpu.memory_space<vmem>>, vector<1x16xf32>,
    %get3A_67 = vector.shape_cast %get3A_66 : vector<1x16xf32> to vector<16xf32>
    %add3A_68 = arith.addf %add3A_62, %get3A_67 : vector<16xf32>
    %get3A_69 = arith.constant 0 : i32
    %get3A_70 = arith.index_cast %get3A_69 : i32 to index
    %get3A_71 = arith.constant 96 : index
    %get3A_72 = tpu.vector_load %arg8[%get3A_70, %get3A_71] {strides = array<i32>} : memref<4x128xf32, #tpu.memory_space<vmem>>, vector<1x16xf32>,
    %get3A_73 = vector.shape_cast %get3A_72 : vector<1x16xf32> to vector<16xf32>
    %add3A_74 = arith.addf %add3A_68, %get3A_73 : vector<16xf32>
    %get3A_75 = arith.constant 0 : i32
    %get3A_76 = arith.index_cast %get3A_75 : i32 to index
    %get3A_77 = arith.constant 112 : index
    %get3A_78 = tpu.vector_load %arg8[%get3A_76, %get3A_77] {strides = array<i32>} : memref<4x128xf32, #tpu.memory_space<vmem>>, vector<1x16xf32>,
    %get3A_79 = vector.shape_cast %get3A_78 : vector<1x16xf32> to vector<16xf32>
    %add3A_80 = arith.addf %add3A_74, %get3A_79 : vector<16xf32>
    %get3A_81 = arith.constant 1 : i32
    %get3A_82 = arith.index_cast %get3A_81 : i32 to index
    %get3A_83 = arith.constant 0 : index
    %get3A_84 = tpu.vector_load %arg8[%get3A_82, %get3A_83] {strides = array<i32>} : memref<4x128xf32, #tpu.memory_space<vmem>>, vector<1x16xf32>,
    %get3A_85 = vector.shape_cast %get3A_84 : vector<1x16xf32> to vector<16xf32>
    %add3A_86 = arith.addf %add3A_80, %get3A_85 : vector<16xf32>
    %get3A_87 = arith.constant 1 : i32
    %get3A_88 = arith.index_cast %get3A_87 : i32 to index
    %get3A_89 = arith.constant 16 : index
    %get3A_90 = tpu.vector_load %arg8[%get3A_88, %get3A_89] {strides = array<i32>} : memref<4x128xf32, #tpu.memory_space<vmem>>, vector<1x16xf32>,
    %get3A_91 = vector.shape_cast %get3A_90 : vector<1x16xf32> to vector<16xf32>
    %add3A_92 = arith.addf %add3A_86, %get3A_91 : vector<16xf32>
    %get3A_93 = arith.constant 1 : i32
    %get3A_94 = arith.index_cast %get3A_93 : i32 to index
    %get3A_95 = arith.constant 32 : index
    %get3A_96 = tpu.vector_load %arg8[%get3A_94, %get3A_95] {strides = array<i32>} : memref<4x128xf32, #tpu.memory_space<vmem>>, vector<1x16xf32>,
    %get3A_97 = vector.shape_cast %get3A_96 : vector<1x16xf32> to vector<16xf32>
    %add3A_98 = arith.addf %add3A_92, %get3A_97 : vector<16xf32>
    %get3A_99 = arith.constant 1 : i32
    %get3A_100 = arith.index_cast %get3A_99 : i32 to index
    %get3A_101 = arith.constant 48 : index
    %get3A_102 = tpu.vector_load %arg8[%get3A_100, %get3A_101] {strides = array<i32>} : memref<4x128xf32, #tpu.memory_space<vmem>>, vector<1x16xf32>,
    %get3A_103 = vector.shape_cast %get3A_102 : vector<1x16xf32> to vector<16xf32>
    %add3A_104 = arith.addf %add3A_98, %get3A_103 : vector<16xf32>
    %get3A_105 = arith.constant 1 : i32
    %get3A_106 = arith.index_cast %get3A_105 : i32 to index
    %get3A_107 = arith.constant 64 : index
    %get3A_108 = tpu.vector_load %arg8[%get3A_106, %get3A_107] {strides = array<i32>} : memref<4x128xf32, #tpu.memory_space<vmem>>, vector<1x16xf32>,
    %get3A_109 = vector.shape_cast %get3A_108 : vector<1x16xf32> to vector<16xf32>
    %add3A_110 = arith.addf %add3A_104, %get3A_109 : vector<16xf32>
    %get3A_111 = arith.constant 1 : i32
    %get3A_112 = arith.index_cast %get3A_111 : i32 to index
    %get3A_113 = arith.constant 80 : index
    %get3A_114 = tpu.vector_load %arg8[%get3A_112, %get3A_113] {strides = array<i32>} : memref<4x128xf32, #tpu.memory_space<vmem>>, vector<1x16xf32>,
    %get3A_115 = vector.shape_cast %get3A_114 : vector<1x16xf32> to vector<16xf32>
    %add3A_116 = arith.addf %add3A_110, %get3A_115 : vector<16xf32>
    %get3A_117 = arith.constant 1 : i32
    %get3A_118 = arith.index_cast %get3A_117 : i32 to index
    %get3A_119 = arith.constant 96 : index
    %get3A_120 = tpu.vector_load %arg8[%get3A_118, %get3A_119] {strides = array<i32>} : memref<4x128xf32, #tpu.memory_space<vmem>>, vector<1x16xf32>,
    %get3A_121 = vector.shape_cast %get3A_120 : vector<1x16xf32> to vector<16xf32>
    %add3A_122 = arith.addf %add3A_116, %get3A_121 : vector<16xf32>
    %get3A_123 = arith.constant 1 : i32
    %get3A_124 = arith.index_cast %get3A_123 : i32 to index
    %get3A_125 = arith.constant 112 : index
    %get3A_126 = tpu.vector_load %arg8[%get3A_124, %get3A_125] {strides = array<i32>} : memref<4x128xf32, #tpu.memory_space<vmem>>, vector<1x16xf32>,
    %get3A_127 = vector.shape_cast %get3A_126 : vector<1x16xf32> to vector<16xf32>
    %add3A_128 = arith.addf %add3A_122, %get3A_127 : vector<16xf32>
    %get3A_129 = arith.constant 2 : i32
    %get3A_130 = arith.index_cast %get3A_129 : i32 to index
    %get3A_131 = arith.constant 0 : index
    %get3A_132 = tpu.vector_load %arg8[%get3A_130, %get3A_131] {strides = array<i32>} : memref<4x128xf32, #tpu.memory_space<vmem>>, vector<1x16xf32>,
    %get3A_133 = vector.shape_cast %get3A_132 : vector<1x16xf32> to vector<16xf32>
    %add3A_134 = arith.addf %add3A_128, %get3A_133 : vector<16xf32>
    %get3A_135 = arith.constant 2 : i32
    %get3A_136 = arith.index_cast %get3A_135 : i32 to index
    %get3A_137 = arith.constant 16 : index
    %get3A_138 = tpu.vector_load %arg8[%get3A_136, %get3A_137] {strides = array<i32>} : memref<4x128xf32, #tpu.memory_space<vmem>>, vector<1x16xf32>,
    %get3A_139 = vector.shape_cast %get3A_138 : vector<1x16xf32> to vector<16xf32>
    %add3A_140 = arith.addf %add3A_134, %get3A_139 : vector<16xf32>
    %get3A_141 = arith.constant 2 : i32
    %get3A_142 = arith.index_cast %get3A_141 : i32 to index
    %get3A_143 = arith.constant 32 : index
    %get3A_144 = tpu.vector_load %arg8[%get3A_142, %get3A_143] {strides = array<i32>} : memref<4x128xf32, #tpu.memory_space<vmem>>, vector<1x16xf32>,
    %get3A_145 = vector.shape_cast %get3A_144 : vector<1x16xf32> to vector<16xf32>
    %add3A_146 = arith.addf %add3A_140, %get3A_145 : vector<16xf32>
    %get3A_147 = arith.constant 2 : i32
    %get3A_148 = arith.index_cast %get3A_147 : i32 to index
    %get3A_149 = arith.constant 48 : index
    %get3A_150 = tpu.vector_load %arg8[%get3A_148, %get3A_149] {strides = array<i32>} : memref<4x128xf32, #tpu.memory_space<vmem>>, vector<1x16xf32>,
    %get3A_151 = vector.shape_cast %get3A_150 : vector<1x16xf32> to vector<16xf32>
    %add3A_152 = arith.addf %add3A_146, %get3A_151 : vector<16xf32>
    %get3A_153 = arith.constant 2 : i32
    %get3A_154 = arith.index_cast %get3A_153 : i32 to index
    %get3A_155 = arith.constant 64 : index
    %get3A_156 = tpu.vector_load %arg8[%get3A_154, %get3A_155] {strides = array<i32>} : memref<4x128xf32, #tpu.memory_space<vmem>>, vector<1x16xf32>,
    %get3A_157 = vector.shape_cast %get3A_156 : vector<1x16xf32> to vector<16xf32>
    %add3A_158 = arith.addf %add3A_152, %get3A_157 : vector<16xf32>
    %get3A_159 = arith.constant 2 : i32
    %get3A_160 = arith.index_cast %get3A_159 : i32 to index
    %get3A_161 = arith.constant 80 : index
    %get3A_162 = tpu.vector_load %arg8[%get3A_160, %get3A_161] {strides = array<i32>} : memref<4x128xf32, #tpu.memory_space<vmem>>, vector<1x16xf32>,
    %get3A_163 = vector.shape_cast %get3A_162 : vector<1x16xf32> to vector<16xf32>
    %add3A_164 = arith.addf %add3A_158, %get3A_163 : vector<16xf32>
    %get3A_165 = arith.constant 2 : i32
    %get3A_166 = arith.index_cast %get3A_165 : i32 to index
    %get3A_167 = arith.constant 96 : index
    %get3A_168 = tpu.vector_load %arg8[%get3A_166, %get3A_167] {strides = array<i32>} : memref<4x128xf32, #tpu.memory_space<vmem>>, vector<1x16xf32>,
    %get3A_169 = vector.shape_cast %get3A_168 : vector<1x16xf32> to vector<16xf32>
    %add3A_170 = arith.addf %add3A_164, %get3A_169 : vector<16xf32>
    %get3A_171 = arith.constant 2 : i32
    %get3A_172 = arith.index_cast %get3A_171 : i32 to index
    %get3A_173 = arith.constant 112 : index
    %get3A_174 = tpu.vector_load %arg8[%get3A_172, %get3A_173] {strides = array<i32>} : memref<4x128xf32, #tpu.memory_space<vmem>>, vector<1x16xf32>,
    %get3A_175 = vector.shape_cast %get3A_174 : vector<1x16xf32> to vector<16xf32>
    %add3A_176 = arith.addf %add3A_170, %get3A_175 : vector<16xf32>
    %get3A_177 = arith.constant 3 : i32
    %get3A_178 = arith.index_cast %get3A_177 : i32 to index
    %get3A_179 = arith.constant 0 : index
    %get3A_180 = tpu.vector_load %arg8[%get3A_178, %get3A_179] {strides = array<i32>} : memref<4x128xf32, #tpu.memory_space<vmem>>, vector<1x16xf32>,
    %get3A_181 = vector.shape_cast %get3A_180 : vector<1x16xf32> to vector<16xf32>
    %add3A_182 = arith.addf %add3A_176, %get3A_181 : vector<16xf32>
    %get3A_183 = arith.constant 3 : i32
    %get3A_184 = arith.index_cast %get3A_183 : i32 to index
    %get3A_185 = arith.constant 16 : index
    %get3A_186 = tpu.vector_load %arg8[%get3A_184, %get3A_185] {strides = array<i32>} : memref<4x128xf32, #tpu.memory_space<vmem>>, vector<1x16xf32>,
    %get3A_187 = vector.shape_cast %get3A_186 : vector<1x16xf32> to vector<16xf32>
    %add3A_188 = arith.addf %add3A_182, %get3A_187 : vector<16xf32>
    %get3A_189 = arith.constant 3 : i32
    %get3A_190 = arith.index_cast %get3A_189 : i32 to index
    %get3A_191 = arith.constant 32 : index
    %get3A_192 = tpu.vector_load %arg8[%get3A_190, %get3A_191] {strides = array<i32>} : memref<4x128xf32, #tpu.memory_space<vmem>>, vector<1x16xf32>,
    %get3A_193 = vector.shape_cast %get3A_192 : vector<1x16xf32> to vector<16xf32>
    %add3A_194 = arith.addf %add3A_188, %get3A_193 : vector<16xf32>
    %get3A_195 = arith.constant 3 : i32
    %get3A_196 = arith.index_cast %get3A_195 : i32 to index
    %get3A_197 = arith.constant 48 : index
    %get3A_198 = tpu.vector_load %arg8[%get3A_196, %get3A_197] {strides = array<i32>} : memref<4x128xf32, #tpu.memory_space<vmem>>, vector<1x16xf32>,
    %get3A_199 = vector.shape_cast %get3A_198 : vector<1x16xf32> to vector<16xf32>
    %add3A_200 = arith.addf %add3A_194, %get3A_199 : vector<16xf32>
    %get3A_201 = arith.constant 3 : i32
    %get3A_202 = arith.index_cast %get3A_201 : i32 to index
    %get3A_203 = arith.constant 64 : index
    %get3A_204 = tpu.vector_load %arg8[%get3A_202, %get3A_203] {strides = array<i32>} : memref<4x128xf32, #tpu.memory_space<vmem>>, vector<1x16xf32>,
    %get3A_205 = vector.shape_cast %get3A_204 : vector<1x16xf32> to vector<16xf32>
    %add3A_206 = arith.addf %add3A_200, %get3A_205 : vector<16xf32>
    %get3A_207 = arith.constant 3 : i32
    %get3A_208 = arith.index_cast %get3A_207 : i32 to index
    %get3A_209 = arith.constant 80 : index
    %get3A_210 = tpu.vector_load %arg8[%get3A_208, %get3A_209] {strides = array<i32>} : memref<4x128xf32, #tpu.memory_space<vmem>>, vector<1x16xf32>,
    %get3A_211 = vector.shape_cast %get3A_210 : vector<1x16xf32> to vector<16xf32>
    %add3A_212 = arith.addf %add3A_206, %get3A_211 : vector<16xf32>
    %get3A_213 = arith.constant 3 : i32
    %get3A_214 = arith.index_cast %get3A_213 : i32 to index
    %get3A_215 = arith.constant 96 : index
    %get3A_216 = tpu.vector_load %arg8[%get3A_214, %get3A_215] {strides = array<i32>} : memref<4x128xf32, #tpu.memory_space<vmem>>, vector<1x16xf32>,
    %get3A_217 = vector.shape_cast %get3A_216 : vector<1x16xf32> to vector<16xf32>
    %add3A_218 = arith.addf %add3A_212, %get3A_217 : vector<16xf32>
    %get3A_219 = arith.constant 3 : i32
    %get3A_220 = arith.index_cast %get3A_219 : i32 to index
    %get3A_221 = arith.constant 112 : index
    %get3A_222 = tpu.vector_load %arg8[%get3A_220, %get3A_221] {strides = array<i32>} : memref<4x128xf32, #tpu.memory_space<vmem>>, vector<1x16xf32>,
    %get3A_223 = vector.shape_cast %get3A_222 : vector<1x16xf32> to vector<16xf32>
    %add3A_224 = arith.addf %add3A_218, %get3A_223 : vector<16xf32>
    %swap3A = arith.constant 0 : index
    %swap3A_225 = tpu.vector_load %arg10[%swap3A] {strides = array<i32>} : memref<128xf32, #tpu.memory_space<vmem>>, vector<16xf32>,
    %swap3A_226 = vector.shape_cast %swap3A_225 : vector<16xf32> to vector<16xf32>
    %swap3A_227 = vector.shape_cast %add3A_224 : vector<16xf32> to vector<16xf32>
    tpu.vector_store %arg10[%swap3A], %swap3A_227 {strides = array<i32>} : memref<128xf32, #tpu.memory_space<vmem>>, vector<16xf32>,
    %swap3A_228 = arith.constant 80 : index
    %swap3A_229 = tpu.vector_load %arg10[%swap3A_228] {strides = array<i32>} : memref<128xf32, #tpu.memory_space<vmem>>, vector<16xf32>,
    %swap3A_230 = vector.shape_cast %swap3A_229 : vector<16xf32> to vector<16xf32>
    %swap3A_231 = vector.shape_cast %broadcast_in_dim3A_5 : vector<16xf32> to vector<16xf32>
    tpu.vector_store %arg10[%swap3A_228], %swap3A_231 {strides = array<i32>} : memref<128xf32, #tpu.memory_space<vmem>>, vector<16xf32>,
    %swap3A_232 = arith.constant 96 : index
    %swap3A_233 = tpu.vector_load %arg10[%swap3A_232] {strides = array<i32>} : memref<128xf32, #tpu.memory_space<vmem>>, vector<16xf32>,
    %swap3A_234 = vector.shape_cast %swap3A_233 : vector<16xf32> to vector<16xf32>
    %swap3A_235 = vector.shape_cast %broadcast_in_dim3A_5 : vector<16xf32> to vector<16xf32>
    tpu.vector_store %arg10[%swap3A_232], %swap3A_235 {strides = array<i32>} : memref<128xf32, #tpu.memory_space<vmem>>, vector<16xf32>,
    %swap3A_236 = arith.constant 112 : index
    %swap3A_237 = tpu.vector_load %arg10[%swap3A_236] {strides = array<i32>} : memref<128xf32, #tpu.memory_space<vmem>>, vector<16xf32>,
    %swap3A_238 = vector.shape_cast %swap3A_237 : vector<16xf32> to vector<16xf32>
    %swap3A_239 = vector.shape_cast %broadcast_in_dim3A_5 : vector<16xf32> to vector<16xf32>
    tpu.vector_store %arg10[%swap3A_236], %swap3A_239 {strides = array<i32>} : memref<128xf32, #tpu.memory_space<vmem>>, vector<16xf32>,
    %barrier3A_240 = arith.constant 0 : index
    tpu.barrier barrier_id(%barrier3A_240)
    %mul3A_241 = arith.constant 65536 : i32
    %mul3A_242 = arith.muli %arg1, %mul3A_241 : i32
    %add3A_243 = arith.constant 0 : i32
    %add3A_244 = arith.addi %mul3A_242, %add3A_243 : i32
    "tpu.region"() ({
      %run_scoped3A_391 = tpu.sem_alloc : memref<!tpu.dma_semaphore, #tpu.memory_space<semaphore_mem>>
      %dma_start3A = tpu.memref_slice %arg5[%arg0, %add3A_244] : memref<2x1048576xf32, #tpu.memory_space<hbm>> -> memref<1x16384xf32, #tpu.memory_space<hbm>>
      %dma_start3A_392 = tpu.memref_squeeze %dma_start3A : memref<1x16384xf32, #tpu.memory_space<hbm>> -> memref<16384xf32, #tpu.memory_space<hbm>>
      %dma_start3A_393 = tpu.memref_slice %arg13[%add3A_244] : memref<1048576xf32, #tpu.memory_space<vmem_shared>> -> memref<16384xf32, #tpu.memory_space<vmem_shared>>
      tpu.enqueue_dma source(%dma_start3A_393 : memref<16384xf32, #tpu.memory_space<vmem_shared>>) target(%dma_start3A_392 : memref<16384xf32, #tpu.memory_space<hbm>>) target_semaphore(%run_scoped3A_391 : memref<!tpu.dma_semaphore, #tpu.memory_space<semaphore_mem>>)
      %dma_wait3A = tpu.memref_slice %arg5[%arg0, %add3A_244] : memref<2x1048576xf32, #tpu.memory_space<hbm>> -> memref<1x16384xf32, #tpu.memory_space<hbm>>
      %dma_wait3A_394 = tpu.memref_squeeze %dma_wait3A : memref<1x16384xf32, #tpu.memory_space<hbm>> -> memref<16384xf32, #tpu.memory_space<hbm>>
      %dma_wait3A_395 = tpu.memref_slice %arg13[%add3A_244] : memref<1048576xf32, #tpu.memory_space<vmem_shared>> -> memref<16384xf32, #tpu.memory_space<vmem_shared>>
      tpu.wait_dma2 semaphore(%run_scoped3A_391 : memref<!tpu.dma_semaphore, #tpu.memory_space<semaphore_mem>>) src(%dma_wait3A_395 : memref<16384xf32, #tpu.memory_space<vmem_shared>>) dst(%dma_wait3A_394 : memref<16384xf32, #tpu.memory_space<hbm>>)
      tpu.yield
    }) : () -> ()
    %mul3A_245 = arith.constant 65536 : i32
    %mul3A_246 = arith.muli %arg1, %mul3A_245 : i32
    %add3A_247 = arith.constant 16384 : i32
    %add3A_248 = arith.addi %mul3A_246, %add3A_247 : i32
    "tpu.region"() ({
      %run_scoped3A_391 = tpu.sem_alloc : memref<!tpu.dma_semaphore, #tpu.memory_space<semaphore_mem>>
      %dma_start3A = tpu.memref_slice %arg5[%arg0, %add3A_248] : memref<2x1048576xf32, #tpu.memory_space<hbm>> -> memref<1x16384xf32, #tpu.memory_space<hbm>>
      %dma_start3A_392 = tpu.memref_squeeze %dma_start3A : memref<1x16384xf32, #tpu.memory_space<hbm>> -> memref<16384xf32, #tpu.memory_space<hbm>>
      %dma_start3A_393 = tpu.memref_slice %arg13[%add3A_248] : memref<1048576xf32, #tpu.memory_space<vmem_shared>> -> memref<16384xf32, #tpu.memory_space<vmem_shared>>
      tpu.enqueue_dma source(%dma_start3A_393 : memref<16384xf32, #tpu.memory_space<vmem_shared>>) target(%dma_start3A_392 : memref<16384xf32, #tpu.memory_space<hbm>>) target_semaphore(%run_scoped3A_391 : memref<!tpu.dma_semaphore, #tpu.memory_space<semaphore_mem>>)
      %dma_wait3A = tpu.memref_slice %arg5[%arg0, %add3A_248] : memref<2x1048576xf32, #tpu.memory_space<hbm>> -> memref<1x16384xf32, #tpu.memory_space<hbm>>
      %dma_wait3A_394 = tpu.memref_squeeze %dma_wait3A : memref<1x16384xf32, #tpu.memory_space<hbm>> -> memref<16384xf32, #tpu.memory_space<hbm>>
      %dma_wait3A_395 = tpu.memref_slice %arg13[%add3A_248] : memref<1048576xf32, #tpu.memory_space<vmem_shared>> -> memref<16384xf32, #tpu.memory_space<vmem_shared>>
      tpu.wait_dma2 semaphore(%run_scoped3A_391 : memref<!tpu.dma_semaphore, #tpu.memory_space<semaphore_mem>>) src(%dma_wait3A_395 : memref<16384xf32, #tpu.memory_space<vmem_shared>>) dst(%dma_wait3A_394 : memref<16384xf32, #tpu.memory_space<hbm>>)
      tpu.yield
    }) : () -> ()
    %mul3A_249 = arith.constant 65536 : i32
    %mul3A_250 = arith.muli %arg1, %mul3A_249 : i32
    %add3A_251 = arith.constant 32768 : i32
    %add3A_252 = arith.addi %mul3A_250, %add3A_251 : i32
    "tpu.region"() ({
      %run_scoped3A_391 = tpu.sem_alloc : memref<!tpu.dma_semaphore, #tpu.memory_space<semaphore_mem>>
      %dma_start3A = tpu.memref_slice %arg5[%arg0, %add3A_252] : memref<2x1048576xf32, #tpu.memory_space<hbm>> -> memref<1x16384xf32, #tpu.memory_space<hbm>>
      %dma_start3A_392 = tpu.memref_squeeze %dma_start3A : memref<1x16384xf32, #tpu.memory_space<hbm>> -> memref<16384xf32, #tpu.memory_space<hbm>>
      %dma_start3A_393 = tpu.memref_slice %arg13[%add3A_252] : memref<1048576xf32, #tpu.memory_space<vmem_shared>> -> memref<16384xf32, #tpu.memory_space<vmem_shared>>
      tpu.enqueue_dma source(%dma_start3A_393 : memref<16384xf32, #tpu.memory_space<vmem_shared>>) target(%dma_start3A_392 : memref<16384xf32, #tpu.memory_space<hbm>>) target_semaphore(%run_scoped3A_391 : memref<!tpu.dma_semaphore, #tpu.memory_space<semaphore_mem>>)
      %dma_wait3A = tpu.memref_slice %arg5[%arg0, %add3A_252] : memref<2x1048576xf32, #tpu.memory_space<hbm>> -> memref<1x16384xf32, #tpu.memory_space<hbm>>
      %dma_wait3A_394 = tpu.memref_squeeze %dma_wait3A : memref<1x16384xf32, #tpu.memory_space<hbm>> -> memref<16384xf32, #tpu.memory_space<hbm>>
      %dma_wait3A_395 = tpu.memref_slice %arg13[%add3A_252] : memref<1048576xf32, #tpu.memory_space<vmem_shared>> -> memref<16384xf32, #tpu.memory_space<vmem_shared>>
      tpu.wait_dma2 semaphore(%run_scoped3A_391 : memref<!tpu.dma_semaphore, #tpu.memory_space<semaphore_mem>>) src(%dma_wait3A_395 : memref<16384xf32, #tpu.memory_space<vmem_shared>>) dst(%dma_wait3A_394 : memref<16384xf32, #tpu.memory_space<hbm>>)
      tpu.yield
    }) : () -> ()
    %mul3A_253 = arith.constant 65536 : i32
    %mul3A_254 = arith.muli %arg1, %mul3A_253 : i32
    %add3A_255 = arith.constant 49152 : i32
    %add3A_256 = arith.addi %mul3A_254, %add3A_255 : i32
    "tpu.region"() ({
      %run_scoped3A_391 = tpu.sem_alloc : memref<!tpu.dma_semaphore, #tpu.memory_space<semaphore_mem>>
      %dma_start3A = tpu.memref_slice %arg5[%arg0, %add3A_256] : memref<2x1048576xf32, #tpu.memory_space<hbm>> -> memref<1x16384xf32, #tpu.memory_space<hbm>>
      %dma_start3A_392 = tpu.memref_squeeze %dma_start3A : memref<1x16384xf32, #tpu.memory_space<hbm>> -> memref<16384xf32, #tpu.memory_space<hbm>>
      %dma_start3A_393 = tpu.memref_slice %arg13[%add3A_256] : memref<1048576xf32, #tpu.memory_space<vmem_shared>> -> memref<16384xf32, #tpu.memory_space<vmem_shared>>
      tpu.enqueue_dma source(%dma_start3A_393 : memref<16384xf32, #tpu.memory_space<vmem_shared>>) target(%dma_start3A_392 : memref<16384xf32, #tpu.memory_space<hbm>>) target_semaphore(%run_scoped3A_391 : memref<!tpu.dma_semaphore, #tpu.memory_space<semaphore_mem>>)
      %dma_wait3A = tpu.memref_slice %arg5[%arg0, %add3A_256] : memref<2x1048576xf32, #tpu.memory_space<hbm>> -> memref<1x16384xf32, #tpu.memory_space<hbm>>
      %dma_wait3A_394 = tpu.memref_squeeze %dma_wait3A : memref<1x16384xf32, #tpu.memory_space<hbm>> -> memref<16384xf32, #tpu.memory_space<hbm>>
      %dma_wait3A_395 = tpu.memref_slice %arg13[%add3A_256] : memref<1048576xf32, #tpu.memory_space<vmem_shared>> -> memref<16384xf32, #tpu.memory_space<vmem_shared>>
      tpu.wait_dma2 semaphore(%run_scoped3A_391 : memref<!tpu.dma_semaphore, #tpu.memory_space<semaphore_mem>>) src(%dma_wait3A_395 : memref<16384xf32, #tpu.memory_space<vmem_shared>>) dst(%dma_wait3A_394 : memref<16384xf32, #tpu.memory_space<hbm>>)
      tpu.yield
    }) : () -> ()
    %jit3A = arith.constant 2 : i32
    %div3A = arith.divsi %arg1, %jit3A : i32
    %sign3A = arith.constant 0 : i32
    %sign3A_257 = arith.cmpi sgt, %arg1, %sign3A : i32
    %sign3A_258 = arith.extui %sign3A_257 : i1 to i32
    %sign3A_259 = arith.constant 0 : i32
    %sign3A_260 = arith.cmpi slt, %arg1, %sign3A_259 : i32
    %sign3A_261 = arith.extui %sign3A_260 : i1 to i32
    %sign3A_262 = arith.subi %sign3A_258, %sign3A_261 : i32
    %sign3A_263 = arith.constant 0 : i32
    %sign3A_264 = arith.cmpi sgt, %jit3A, %sign3A_263 : i32
    %sign3A_265 = arith.extui %sign3A_264 : i1 to i32
    %sign3A_266 = arith.constant 0 : i32
    %sign3A_267 = arith.cmpi slt, %jit3A, %sign3A_266 : i32
    %sign3A_268 = arith.extui %sign3A_267 : i1 to i32
    %sign3A_269 = arith.subi %sign3A_265, %sign3A_268 : i32
    %ne3A = arith.cmpi ne, %sign3A_262, %sign3A_269 : i32
    %rem3A = arith.remsi %arg1, %jit3A : i32
    %ne3A_270 = arith.constant 0 : i32
    %ne3A_271 = arith.cmpi ne, %rem3A, %ne3A_270 : i32
    %and3A = arith.andi %ne3A, %ne3A_271 : i1
    %sub3A = arith.constant 1 : i32
    %sub3A_272 = arith.subi %div3A, %sub3A : i32
    %select_n3A = arith.select %and3A, %sub3A_272, %div3A : i32
    "tpu.region"() ({
      %run_scoped3A_391 = tpu.sem_alloc : memref<!tpu.dma_semaphore, #tpu.memory_space<semaphore_mem>>
      %dma_start3A = arith.constant 0 : i32
      %dma_start3A_392 = arith.constant 999424 : i32
      %dma_start3A_393 = tpu.memref_slice %arg4[%select_n3A, %dma_start3A, %dma_start3A_392] : memref<8x8x1000000xf32, #tpu.memory_space<hbm>> -> memref<1x8x576xf32, #tpu.memory_space<hbm>>
      %dma_start3A_394 = tpu.memref_squeeze %dma_start3A_393 : memref<1x8x576xf32, #tpu.memory_space<hbm>> -> memref<8x576xf32, #tpu.memory_space<hbm>>
      %dma_start3A_395 = arith.constant 0 : i32
      %dma_start3A_396 = arith.constant 999424 : i32
      %dma_start3A_397 = tpu.memref_slice %arg4[%select_n3A, %dma_start3A_395, %dma_start3A_396] : memref<8x8x1000000xf32, #tpu.memory_space<hbm>> -> memref<1x8x576xf32, #tpu.memory_space<hbm>>
      %dma_start3A_398 = tpu.memref_squeeze %dma_start3A_397 : memref<1x8x576xf32, #tpu.memory_space<hbm>> -> memref<8x576xf32, #tpu.memory_space<hbm>>
      tpu.enqueue_dma source(%dma_start3A_398 : memref<8x576xf32, #tpu.memory_space<hbm>>) target(%arg11 : memref<8x576xf32, #tpu.memory_space<vmem>>) target_semaphore(%run_scoped3A_391 : memref<!tpu.dma_semaphore, #tpu.memory_space<semaphore_mem>>)
      %dma_wait3A = arith.constant 0 : i32
      %dma_wait3A_399 = arith.constant 999424 : i32
      %dma_wait3A_400 = tpu.memref_slice %arg4[%select_n3A, %dma_wait3A, %dma_wait3A_399] : memref<8x8x1000000xf32, #tpu.memory_space<hbm>> -> memref<1x8x576xf32, #tpu.memory_space<hbm>>
      %dma_wait3A_401 = tpu.memref_squeeze %dma_wait3A_400 : memref<1x8x576xf32, #tpu.memory_space<hbm>> -> memref<8x576xf32, #tpu.memory_space<hbm>>
      %dma_wait3A_402 = arith.constant 0 : i32
      %dma_wait3A_403 = arith.constant 999424 : i32
      %dma_wait3A_404 = tpu.memref_slice %arg4[%select_n3A, %dma_wait3A_402, %dma_wait3A_403] : memref<8x8x1000000xf32, #tpu.memory_space<hbm>> -> memref<1x8x576xf32, #tpu.memory_space<hbm>>
      %dma_wait3A_405 = tpu.memref_squeeze %dma_wait3A_404 : memref<1x8x576xf32, #tpu.memory_space<hbm>> -> memref<8x576xf32, #tpu.memory_space<hbm>>
      tpu.wait_dma2 semaphore(%run_scoped3A_391 : memref<!tpu.dma_semaphore, #tpu.memory_space<semaphore_mem>>) src(%dma_wait3A_405 : memref<8x576xf32, #tpu.memory_space<hbm>>) dst(%arg11 : memref<8x576xf32, #tpu.memory_space<vmem>>)
      tpu.yield
    }) : () -> ()
    "tpu.region"() ({
      %run_scoped3A_391 = tpu.sem_alloc : memref<!tpu.dma_semaphore, #tpu.memory_space<semaphore_mem>>
      %dma_start3A = arith.constant 999424 : i32
      %dma_start3A_392 = tpu.memref_slice %arg13[%dma_start3A] : memref<1048576xf32, #tpu.memory_space<vmem_shared>> -> memref<576xf32, #tpu.memory_space<vmem_shared>>
      %dma_start3A_393 = arith.constant 999424 : i32
      %dma_start3A_394 = tpu.memref_slice %arg13[%dma_start3A_393] : memref<1048576xf32, #tpu.memory_space<vmem_shared>> -> memref<576xf32, #tpu.memory_space<vmem_shared>>
      tpu.enqueue_dma source(%dma_start3A_394 : memref<576xf32, #tpu.memory_space<vmem_shared>>) target(%arg12 : memref<576xf32, #tpu.memory_space<vmem>>) target_semaphore(%run_scoped3A_391 : memref<!tpu.dma_semaphore, #tpu.memory_space<semaphore_mem>>)
      %dma_wait3A = arith.constant 999424 : i32
      %dma_wait3A_395 = tpu.memref_slice %arg13[%dma_wait3A] : memref<1048576xf32, #tpu.memory_space<vmem_shared>> -> memref<576xf32, #tpu.memory_space<vmem_shared>>
      %dma_wait3A_396 = arith.constant 999424 : i32
      %dma_wait3A_397 = tpu.memref_slice %arg13[%dma_wait3A_396] : memref<1048576xf32, #tpu.memory_space<vmem_shared>> -> memref<576xf32, #tpu.memory_space<vmem_shared>>
      tpu.wait_dma2 semaphore(%run_scoped3A_391 : memref<!tpu.dma_semaphore, #tpu.memory_space<semaphore_mem>>) src(%dma_wait3A_397 : memref<576xf32, #tpu.memory_space<vmem_shared>>) dst(%arg12 : memref<576xf32, #tpu.memory_space<vmem>>)
      tpu.yield
    }) : () -> ()
    %jit3A_273 = arith.constant 2 : i32
    %eq3A = arith.constant 0 : i32
    %eq3A_274 = arith.cmpi eq, %jit3A_273, %eq3A : i32
    %jit3A_275 = arith.constant 1 : i32
    %select_n3A_276 = arith.select %eq3A_274, %jit3A_275, %jit3A_273 : i32
    %rem3A_277 = arith.remsi %arg1, %select_n3A_276 : i32
    %ne3A_278 = arith.constant 0 : i32
    %ne3A_279 = arith.cmpi ne, %rem3A_277, %ne3A_278 : i32
    %lt3A = arith.constant 0 : i32
    %lt3A_280 = arith.cmpi slt, %rem3A_277, %lt3A : i32
    %lt3A_281 = arith.constant 0 : i32
    %lt3A_282 = arith.cmpi slt, %select_n3A_276, %lt3A_281 : i32
    %ne3A_283 = arith.xori %lt3A_280, %lt3A_282 : i1
    %and3A_284 = arith.andi %ne3A_283, %ne3A_279 : i1
    %add3A_285 = arith.addi %rem3A_277, %select_n3A_276 : i32
    %select_n3A_286 = arith.select %and3A_284, %add3A_285, %rem3A_277 : i32
    %mul3A_287 = arith.constant 4 : i32
    %mul3A_288 = arith.muli %select_n3A_286, %mul3A_287 : i32
    %add3A_289 = arith.constant 0 : i32
    %add3A_290 = arith.addi %mul3A_288, %add3A_289 : i32
    %scan3A_291 = arith.constant 0 : i32
    %scan3A_292 = arith.constant 36 : i32
    %scan3A_293 = arith.addi %scan3A_291, %scan3A_292 : i32
    %scan3A_294 = arith.constant 1 : i32
    %scan3A_295 = scf.for %scan3A_391 = %scan3A_291 to %scan3A_293 step %scan3A_294 iter_args(%scan3A_392 = %broadcast_in_dim3A_5) -> (vector<16xf32>)  : i32 {
      %mul3A_393 = arith.constant 16 : i32
      %mul3A_394 = arith.muli %scan3A_391, %mul3A_393 : i32
      %get3A_395 = arith.index_cast %add3A_290 : i32 to index
      %get3A_396 = arith.index_cast %mul3A_394 : i32 to index
      %get3A_397 = tpu.vector_load %arg11[%get3A_395, %get3A_396] {strides = array<i32>} : memref<8x576xf32, #tpu.memory_space<vmem>>, vector<1x16xf32>,
      %get3A_398 = vector.shape_cast %get3A_397 : vector<1x16xf32> to vector<16xf32>
      %mul3A_399 = arith.constant 16 : i32
      %mul3A_400 = arith.muli %scan3A_391, %mul3A_399 : i32
      %get3A_401 = arith.index_cast %mul3A_400 : i32 to index
      %get3A_402 = tpu.vector_load %arg12[%get3A_401] {strides = array<i32>} : memref<576xf32, #tpu.memory_space<vmem>>, vector<16xf32>,
      %get3A_403 = vector.shape_cast %get3A_402 : vector<16xf32> to vector<16xf32>
      %mul3A_404 = arith.mulf %get3A_398, %get3A_403 : vector<16xf32>
      %add3A_405 = arith.addf %scan3A_392, %mul3A_404 : vector<16xf32>
      scf.yield %add3A_405 : vector<16xf32>
    }
    %scan3A_296 = arith.constant 36 : i32
    %swap3A_297 = arith.constant 16 : index
    %swap3A_298 = tpu.vector_load %arg10[%swap3A_297] {strides = array<i32>} : memref<128xf32, #tpu.memory_space<vmem>>, vector<16xf32>,
    %swap3A_299 = vector.shape_cast %swap3A_298 : vector<16xf32> to vector<16xf32>
    %swap3A_300 = vector.shape_cast %scan3A_295 : vector<16xf32> to vector<16xf32>
    tpu.vector_store %arg10[%swap3A_297], %swap3A_300 {strides = array<i32>} : memref<128xf32, #tpu.memory_space<vmem>>, vector<16xf32>,
    %jit3A_301 = arith.constant 2 : i32
    %eq3A_302 = arith.constant 0 : i32
    %eq3A_303 = arith.cmpi eq, %jit3A_301, %eq3A_302 : i32
    %jit3A_304 = arith.constant 1 : i32
    %select_n3A_305 = arith.select %eq3A_303, %jit3A_304, %jit3A_301 : i32
    %rem3A_306 = arith.remsi %arg1, %select_n3A_305 : i32
    %ne3A_307 = arith.constant 0 : i32
    %ne3A_308 = arith.cmpi ne, %rem3A_306, %ne3A_307 : i32
    %lt3A_309 = arith.constant 0 : i32
    %lt3A_310 = arith.cmpi slt, %rem3A_306, %lt3A_309 : i32
    %lt3A_311 = arith.constant 0 : i32
    %lt3A_312 = arith.cmpi slt, %select_n3A_305, %lt3A_311 : i32
    %ne3A_313 = arith.xori %lt3A_310, %lt3A_312 : i1
    %and3A_314 = arith.andi %ne3A_313, %ne3A_308 : i1
    %add3A_315 = arith.addi %rem3A_306, %select_n3A_305 : i32
    %select_n3A_316 = arith.select %and3A_314, %add3A_315, %rem3A_306 : i32
    %mul3A_317 = arith.constant 4 : i32
    %mul3A_318 = arith.muli %select_n3A_316, %mul3A_317 : i32
    %add3A_319 = arith.constant 1 : i32
    %add3A_320 = arith.addi %mul3A_318, %add3A_319 : i32
    %scan3A_321 = arith.constant 0 : i32
    %scan3A_322 = arith.constant 36 : i32
    %scan3A_323 = arith.addi %scan3A_321, %scan3A_322 : i32
    %scan3A_324 = arith.constant 1 : i32
    %scan3A_325 = scf.for %scan3A_391 = %scan3A_321 to %scan3A_323 step %scan3A_324 iter_args(%scan3A_392 = %broadcast_in_dim3A_5) -> (vector<16xf32>)  : i32 {
      %mul3A_393 = arith.constant 16 : i32
      %mul3A_394 = arith.muli %scan3A_391, %mul3A_393 : i32
      %get3A_395 = arith.index_cast %add3A_320 : i32 to index
      %get3A_396 = arith.index_cast %mul3A_394 : i32 to index
      %get3A_397 = tpu.vector_load %arg11[%get3A_395, %get3A_396] {strides = array<i32>} : memref<8x576xf32, #tpu.memory_space<vmem>>, vector<1x16xf32>,
      %get3A_398 = vector.shape_cast %get3A_397 : vector<1x16xf32> to vector<16xf32>
      %mul3A_399 = arith.constant 16 : i32
      %mul3A_400 = arith.muli %scan3A_391, %mul3A_399 : i32
      %get3A_401 = arith.index_cast %mul3A_400 : i32 to index
      %get3A_402 = tpu.vector_load %arg12[%get3A_401] {strides = array<i32>} : memref<576xf32, #tpu.memory_space<vmem>>, vector<16xf32>,
      %get3A_403 = vector.shape_cast %get3A_402 : vector<16xf32> to vector<16xf32>
      %mul3A_404 = arith.mulf %get3A_398, %get3A_403 : vector<16xf32>
      %add3A_405 = arith.addf %scan3A_392, %mul3A_404 : vector<16xf32>
      scf.yield %add3A_405 : vector<16xf32>
    }
    %scan3A_326 = arith.constant 36 : i32
    %swap3A_327 = arith.constant 32 : index
    %swap3A_328 = tpu.vector_load %arg10[%swap3A_327] {strides = array<i32>} : memref<128xf32, #tpu.memory_space<vmem>>, vector<16xf32>,
    %swap3A_329 = vector.shape_cast %swap3A_328 : vector<16xf32> to vector<16xf32>
    %swap3A_330 = vector.shape_cast %scan3A_325 : vector<16xf32> to vector<16xf32>
    tpu.vector_store %arg10[%swap3A_327], %swap3A_330 {strides = array<i32>} : memref<128xf32, #tpu.memory_space<vmem>>, vector<16xf32>,
    %jit3A_331 = arith.constant 2 : i32
    %eq3A_332 = arith.constant 0 : i32
    %eq3A_333 = arith.cmpi eq, %jit3A_331, %eq3A_332 : i32
    %jit3A_334 = arith.constant 1 : i32
    %select_n3A_335 = arith.select %eq3A_333, %jit3A_334, %jit3A_331 : i32
    %rem3A_336 = arith.remsi %arg1, %select_n3A_335 : i32
    %ne3A_337 = arith.constant 0 : i32
    %ne3A_338 = arith.cmpi ne, %rem3A_336, %ne3A_337 : i32
    %lt3A_339 = arith.constant 0 : i32
    %lt3A_340 = arith.cmpi slt, %rem3A_336, %lt3A_339 : i32
    %lt3A_341 = arith.constant 0 : i32
    %lt3A_342 = arith.cmpi slt, %select_n3A_335, %lt3A_341 : i32
    %ne3A_343 = arith.xori %lt3A_340, %lt3A_342 : i1
    %and3A_344 = arith.andi %ne3A_343, %ne3A_338 : i1
    %add3A_345 = arith.addi %rem3A_336, %select_n3A_335 : i32
    %select_n3A_346 = arith.select %and3A_344, %add3A_345, %rem3A_336 : i32
    %mul3A_347 = arith.constant 4 : i32
    %mul3A_348 = arith.muli %select_n3A_346, %mul3A_347 : i32
    %add3A_349 = arith.constant 2 : i32
    %add3A_350 = arith.addi %mul3A_348, %add3A_349 : i32
    %scan3A_351 = arith.constant 0 : i32
    %scan3A_352 = arith.constant 36 : i32
    %scan3A_353 = arith.addi %scan3A_351, %scan3A_352 : i32
    %scan3A_354 = arith.constant 1 : i32
    %scan3A_355 = scf.for %scan3A_391 = %scan3A_351 to %scan3A_353 step %scan3A_354 iter_args(%scan3A_392 = %broadcast_in_dim3A_5) -> (vector<16xf32>)  : i32 {
      %mul3A_393 = arith.constant 16 : i32
      %mul3A_394 = arith.muli %scan3A_391, %mul3A_393 : i32
      %get3A_395 = arith.index_cast %add3A_350 : i32 to index
      %get3A_396 = arith.index_cast %mul3A_394 : i32 to index
      %get3A_397 = tpu.vector_load %arg11[%get3A_395, %get3A_396] {strides = array<i32>} : memref<8x576xf32, #tpu.memory_space<vmem>>, vector<1x16xf32>,
      %get3A_398 = vector.shape_cast %get3A_397 : vector<1x16xf32> to vector<16xf32>
      %mul3A_399 = arith.constant 16 : i32
      %mul3A_400 = arith.muli %scan3A_391, %mul3A_399 : i32
      %get3A_401 = arith.index_cast %mul3A_400 : i32 to index
      %get3A_402 = tpu.vector_load %arg12[%get3A_401] {strides = array<i32>} : memref<576xf32, #tpu.memory_space<vmem>>, vector<16xf32>,
      %get3A_403 = vector.shape_cast %get3A_402 : vector<16xf32> to vector<16xf32>
      %mul3A_404 = arith.mulf %get3A_398, %get3A_403 : vector<16xf32>
      %add3A_405 = arith.addf %scan3A_392, %mul3A_404 : vector<16xf32>
      scf.yield %add3A_405 : vector<16xf32>
    }
    %scan3A_356 = arith.constant 36 : i32
    %swap3A_357 = arith.constant 48 : index
    %swap3A_358 = tpu.vector_load %arg10[%swap3A_357] {strides = array<i32>} : memref<128xf32, #tpu.memory_space<vmem>>, vector<16xf32>,
    %swap3A_359 = vector.shape_cast %swap3A_358 : vector<16xf32> to vector<16xf32>
    %swap3A_360 = vector.shape_cast %scan3A_355 : vector<16xf32> to vector<16xf32>
    tpu.vector_store %arg10[%swap3A_357], %swap3A_360 {strides = array<i32>} : memref<128xf32, #tpu.memory_space<vmem>>, vector<16xf32>,
    %jit3A_361 = arith.constant 2 : i32
    %eq3A_362 = arith.constant 0 : i32
    %eq3A_363 = arith.cmpi eq, %jit3A_361, %eq3A_362 : i32
    %jit3A_364 = arith.constant 1 : i32
    %select_n3A_365 = arith.select %eq3A_363, %jit3A_364, %jit3A_361 : i32
    %rem3A_366 = arith.remsi %arg1, %select_n3A_365 : i32
    %ne3A_367 = arith.constant 0 : i32
    %ne3A_368 = arith.cmpi ne, %rem3A_366, %ne3A_367 : i32
    %lt3A_369 = arith.constant 0 : i32
    %lt3A_370 = arith.cmpi slt, %rem3A_366, %lt3A_369 : i32
    %lt3A_371 = arith.constant 0 : i32
    %lt3A_372 = arith.cmpi slt, %select_n3A_365, %lt3A_371 : i32
    %ne3A_373 = arith.xori %lt3A_370, %lt3A_372 : i1
    %and3A_374 = arith.andi %ne3A_373, %ne3A_368 : i1
    %add3A_375 = arith.addi %rem3A_366, %select_n3A_365 : i32
    %select_n3A_376 = arith.select %and3A_374, %add3A_375, %rem3A_366 : i32
    %mul3A_377 = arith.constant 4 : i32
    %mul3A_378 = arith.muli %select_n3A_376, %mul3A_377 : i32
    %add3A_379 = arith.constant 3 : i32
    %add3A_380 = arith.addi %mul3A_378, %add3A_379 : i32
    %scan3A_381 = arith.constant 0 : i32
    %scan3A_382 = arith.constant 36 : i32
    %scan3A_383 = arith.addi %scan3A_381, %scan3A_382 : i32
    %scan3A_384 = arith.constant 1 : i32
    %scan3A_385 = scf.for %scan3A_391 = %scan3A_381 to %scan3A_383 step %scan3A_384 iter_args(%scan3A_392 = %broadcast_in_dim3A_5) -> (vector<16xf32>)  : i32 {
      %mul3A_393 = arith.constant 16 : i32
      %mul3A_394 = arith.muli %scan3A_391, %mul3A_393 : i32
      %get3A_395 = arith.index_cast %add3A_380 : i32 to index
      %get3A_396 = arith.index_cast %mul3A_394 : i32 to index
      %get3A_397 = tpu.vector_load %arg11[%get3A_395, %get3A_396] {strides = array<i32>} : memref<8x576xf32, #tpu.memory_space<vmem>>, vector<1x16xf32>,
      %get3A_398 = vector.shape_cast %get3A_397 : vector<1x16xf32> to vector<16xf32>
      %mul3A_399 = arith.constant 16 : i32
      %mul3A_400 = arith.muli %scan3A_391, %mul3A_399 : i32
      %get3A_401 = arith.index_cast %mul3A_400 : i32 to index
      %get3A_402 = tpu.vector_load %arg12[%get3A_401] {strides = array<i32>} : memref<576xf32, #tpu.memory_space<vmem>>, vector<16xf32>,
      %get3A_403 = vector.shape_cast %get3A_402 : vector<16xf32> to vector<16xf32>
      %mul3A_404 = arith.mulf %get3A_398, %get3A_403 : vector<16xf32>
      %add3A_405 = arith.addf %scan3A_392, %mul3A_404 : vector<16xf32>
      scf.yield %add3A_405 : vector<16xf32>
    }
    %scan3A_386 = arith.constant 36 : i32
    %swap3A_387 = arith.constant 64 : index
    %swap3A_388 = tpu.vector_load %arg10[%swap3A_387] {strides = array<i32>} : memref<128xf32, #tpu.memory_space<vmem>>, vector<16xf32>,
    %swap3A_389 = vector.shape_cast %swap3A_388 : vector<16xf32> to vector<16xf32>
    %swap3A_390 = vector.shape_cast %scan3A_385 : vector<16xf32> to vector<16xf32>
    tpu.vector_store %arg10[%swap3A_387], %swap3A_390 {strides = array<i32>} : memref<128xf32, #tpu.memory_space<vmem>>, vector<16xf32>,
    "tpu.region"() ({
      %run_scoped3A_391 = tpu.sem_alloc : memref<!tpu.dma_semaphore, #tpu.memory_space<semaphore_mem>>
      %dma_start3A = arith.constant 0 : i32
      %dma_start3A_392 = tpu.memref_slice %arg6[%add3A, %dma_start3A] : memref<32x128xf32, #tpu.memory_space<hbm>> -> memref<1x128xf32, #tpu.memory_space<hbm>>
      %dma_start3A_393 = tpu.memref_squeeze %dma_start3A_392 : memref<1x128xf32, #tpu.memory_space<hbm>> -> memref<128xf32, #tpu.memory_space<hbm>>
      %dma_start3A_394 = arith.constant 0 : i32
      %dma_start3A_395 = tpu.memref_slice %arg6[%add3A, %dma_start3A_394] : memref<32x128xf32, #tpu.memory_space<hbm>> -> memref<1x128xf32, #tpu.memory_space<hbm>>
      %dma_start3A_396 = tpu.memref_squeeze %dma_start3A_395 : memref<1x128xf32, #tpu.memory_space<hbm>> -> memref<128xf32, #tpu.memory_space<hbm>>
      tpu.enqueue_dma source(%arg10 : memref<128xf32, #tpu.memory_space<vmem>>) target(%dma_start3A_396 : memref<128xf32, #tpu.memory_space<hbm>>) target_semaphore(%run_scoped3A_391 : memref<!tpu.dma_semaphore, #tpu.memory_space<semaphore_mem>>)
      %dma_wait3A = arith.constant 0 : i32
      %dma_wait3A_397 = tpu.memref_slice %arg6[%add3A, %dma_wait3A] : memref<32x128xf32, #tpu.memory_space<hbm>> -> memref<1x128xf32, #tpu.memory_space<hbm>>
      %dma_wait3A_398 = tpu.memref_squeeze %dma_wait3A_397 : memref<1x128xf32, #tpu.memory_space<hbm>> -> memref<128xf32, #tpu.memory_space<hbm>>
      %dma_wait3A_399 = arith.constant 0 : i32
      %dma_wait3A_400 = tpu.memref_slice %arg6[%add3A, %dma_wait3A_399] : memref<32x128xf32, #tpu.memory_space<hbm>> -> memref<1x128xf32, #tpu.memory_space<hbm>>
      %dma_wait3A_401 = tpu.memref_squeeze %dma_wait3A_400 : memref<1x128xf32, #tpu.memory_space<hbm>> -> memref<128xf32, #tpu.memory_space<hbm>>
      tpu.wait_dma2 semaphore(%run_scoped3A_391 : memref<!tpu.dma_semaphore, #tpu.memory_space<semaphore_mem>>) src(%arg10 : memref<128xf32, #tpu.memory_space<vmem>>) dst(%dma_wait3A_401 : memref<128xf32, #tpu.memory_space<hbm>>)
      tpu.yield
    }) : () -> ()
    return
  }
}

module attributes {stable_mosaic.version = 14 : i64} {
  func.func @_tc_matvec(%arg0: i32, %arg1: memref<64x8192xf32, #tpu.memory_space<vmem>>, %arg2: memref<2x8192xf32, #tpu.memory_space<vmem>>, %arg3: memref<1x64xf32, #tpu.memory_space<vmem>>) attributes {dimension_semantics = [#tpu.dimension_semantics<arbitrary>], iteration_bounds = array<i64: 122>, scalar_prefetch = 0 : i64, scratch_operands = 0 : i64, tpu.core_type = #tpu.core_type<tc>, window_params = [{transform_indices = @transform_0, window_bounds = array<i64: 64, 8192>}, {transform_indices = @transform_1, window_bounds = array<i64: 2, 8192>}, {pipeline_mode = #tpu.pipeline_mode<synchronous>, transform_indices = @transform_2, window_bounds = array<i64: 1, 64>}]} {
    %eq3A = arith.constant 0 : i32
    %eq3A_0 = arith.cmpi eq, %arg0, %eq3A : i32
    %convert_element_type3A = arith.extui %eq3A_0 : i1 to i32
    %cond3A = arith.constant 0 : i32
    %cond3A_1 = arith.cmpi ne, %convert_element_type3A, %cond3A : i32
    scf.if %cond3A_1 {
      %broadcast_in_dim3A_21 = arith.constant 0.000000e+00 : f32
      %broadcast_in_dim3A_22 = vector.broadcast %broadcast_in_dim3A_21 : f32 to vector<1x64xf32>
      %swap3A_23 = arith.constant 0 : index
      %swap3A_24 = arith.constant 0 : index
      %swap3A_25 = vector.load %arg3[%swap3A_23, %swap3A_24] : memref<1x64xf32, #tpu.memory_space<vmem>>, vector<1x64xf32>
      tpu.vector_store %arg3[%swap3A_23, %swap3A_24], %broadcast_in_dim3A_22 {strides = array<i32>} : memref<1x64xf32, #tpu.memory_space<vmem>>, vector<1x64xf32>,
    } else {
    }
    %get3A = arith.constant 0 : index
    %get3A_2 = arith.constant 0 : index
    %get3A_3 = vector.load %arg1[%get3A, %get3A_2] : memref<64x8192xf32, #tpu.memory_space<vmem>>, vector<64x8192xf32>
    %get3A_4 = arith.constant 0 : index
    %get3A_5 = arith.constant 0 : index
    %get3A_6 = vector.load %arg2[%get3A_4, %get3A_5] : memref<2x8192xf32, #tpu.memory_space<vmem>>, vector<1x8192xf32>
    %get3A_7 = vector.shape_cast %get3A_6 : vector<1x8192xf32> to vector<8192xf32>
    %get3A_8 = arith.constant 1 : index
    %get3A_9 = arith.constant 0 : index
    %get3A_10 = vector.load %arg2[%get3A_8, %get3A_9] : memref<2x8192xf32, #tpu.memory_space<vmem>>, vector<1x8192xf32>
    %get3A_11 = vector.shape_cast %get3A_10 : vector<1x8192xf32> to vector<8192xf32>
    %add3A = arith.addf %get3A_7, %get3A_11 : vector<8192xf32>
    %get3A_12 = arith.constant 0 : index
    %get3A_13 = arith.constant 0 : index
    %get3A_14 = vector.load %arg3[%get3A_12, %get3A_13] : memref<1x64xf32, #tpu.memory_space<vmem>>, vector<1x64xf32>
    %broadcast_in_dim3A = vector.shape_cast %add3A : vector<8192xf32> to vector<1x8192xf32>
    %mul3A = vector.broadcast %broadcast_in_dim3A : vector<1x8192xf32> to vector<64x8192xf32>
    %mul3A_15 = arith.mulf %get3A_3, %mul3A : vector<64x8192xf32>
    %reduce_sum3A = arith.constant dense<0.000000e+00> : vector<64xf32>
    %reduce_sum3A_16 = vector.multi_reduction <add>, %mul3A_15, %reduce_sum3A [1] : vector<64x8192xf32> to vector<64xf32>
    %broadcast_in_dim3A_17 = vector.shape_cast %reduce_sum3A_16 : vector<64xf32> to vector<1x64xf32>
    %add3A_18 = arith.addf %get3A_14, %broadcast_in_dim3A_17 : vector<1x64xf32>
    %swap3A = arith.constant 0 : index
    %swap3A_19 = arith.constant 0 : index
    %swap3A_20 = vector.load %arg3[%swap3A, %swap3A_19] : memref<1x64xf32, #tpu.memory_space<vmem>>, vector<1x64xf32>
    tpu.vector_store %arg3[%swap3A, %swap3A_19], %add3A_18 {strides = array<i32>} : memref<1x64xf32, #tpu.memory_space<vmem>>, vector<1x64xf32>,
    return
  }
  func.func @transform_0(%arg0: i32) -> (i32, i32) {
    %c0_i32 = arith.constant 0 : i32
    %c0_i32_0 = arith.constant 0 : i32
    return %c0_i32, %arg0 : i32, i32
  }
  func.func @transform_1(%arg0: i32) -> (i32, i32) {
    %c0_i32 = arith.constant 0 : i32
    %c0_i32_0 = arith.constant 0 : i32
    return %c0_i32, %arg0 : i32, i32
  }
  func.func @transform_2(%arg0: i32) -> (i32, i32) {
    %c0_i32 = arith.constant 0 : i32
    %c0_i32_0 = arith.constant 0 : i32
    %c0_i32_1 = arith.constant 0 : i32
    return %c0_i32, %c0_i32_0 : i32, i32
  }
}

</mosaic_0001>

<sc_bundles>
// kernel: kernel.4.cloned.1.call-start
scs
__scs_entry_jumppad:
0x0: {  	(pc) =	sbr.rel $0x88, $3  }
0x1: {  	(tag) =	ssettag $0x0;
	lr =	simm.s32 $0x1  }
0x2: {  	[smem:$0x3F9E] =	sst lr;
	_ =	strace $0xD0000000  }
0x3: {  	_ = 	snop  }
0x4: {  	_ = 	snop  }
0x5: {  	_ = 	snop  }
0x6: {  	_ = 	snop  }
0x7: {  	_ = 	snop  }
__scs_overlays_trampoline_lowered:
0x8: {  	[smem:$0x3FAD] =	sst s0  }
0x9: {  	[smem:$0x3FAE] =	sst s1  }
0xa: {  	[smem:$0x3FAF] =	sst s2  }
0xb: {  	[smem:$0x3FB0] =	sst s3  }
0xc: {  	[smem:$0x3FB1] =	sst s4  }
0xd: {  	[smem:$0x3FB2] =	sst s5  }
0xe: {  	[smem:$0x3FB3] =	sst s6  }
0xf: {  	[smem:$0x3FB4] =	sst s7  }
0x10: {  	[smem:$0x3FB5] =	sst s8  }
0x11: {  	[smem:$0x3FB6] =	sst s9;
	s0 =	simm.s32 @!p0 $0x0  }
0x12: {  	s1 =	sld [smem:$0x3F9C];
	s0 =	simm.s32 @p0 $0x1  }
0x13: {  	[smem:$0x3FB7] =	sst s0;
	s0 =	simm.s32 @!p1 $0x0  }
0x14: {  	s2 =	sld [smem:$0x3F9B];
	s0 =	simm.s32 @p1 $0x1  }
0x15: {  	[smem:$0x3FB8] =	sst s0;
	s0 =	simm.s32 @!p2 $0x0  }
0x16: {  	s3 =	sld [smem:$0x3FDB];
	s0 =	simm.s32 @p2 $0x1  }
0x17: {  	s4 =	simm.s32 $0x1BF5;
	[smem:$0x3FBA] =	sst s0  }
0x18: {  	s0 =	sld [smem:$0x3F9D];
	_ =	swait.ge [sflag:s4], $0x0  }
0x19: {  	s7 =	sld [smem:$0x3F9E]  }
0x1a: {  	s8 =	sadd.s32 $0xFFFFE003, lr  }
0x1b: {  	s9 =	sadd.s32 $0xFFFFFEF7, lr;
	s5 =	simm.s32 $0xFFFFFFFF;
	p2 =	slt.u32 s8, $0xFFFFF086  }
0x1c: {  	p1 =	slt.u32 s9, $0xF7A;
	s5 =	simm.s32 @!p2 $0x0  }
0x1d: {  	s5 =	simm.s32 @p1 $0x1;
	p0 =	seq.s32 s7, s2  }
0x1e: {  	s7 =	smul.u32 @!p0 $0xF7A, s2;
	p2 =	seq.s32 @!p0 s5, $0x0  }
0x1f: {  	s9 =	smul.u32 $0xF7A, s1;
	s8 =	simm.s32 @!p0 $0x1BF5;
	p2 =	por !p2, p0  }
0x20: {  	[sflag:s8] =	ssyncset.s32 @!p0 $0xFFFFF086;
	s6 =	sadd.s32 @!p0 s3, s7;
	s7 =	simm.s32 @!p0 $0x108  }
0x21: {  	s3 =	sadd.s32 s3, s9;
	s6 =	sadd.s32 @!p0 $0x88, s6;
	s7 =	simm.s32 @p2 $0x1082  }
0x22: {  	[simem:s7], [sflag:s8] =	dma.local @!p0 [hbm:s6], $0xF7A  }
0x23: {  	s9 =	sor.u32 $0xD0000000, s2;
	s6 =	simm.s32 $0x108;
	_ =	swait.ge @!p0 [sflag:s8], $0x0  }
0x24: {  	s3 =	sadd.s32 $0x88, s3;
	s6 =	simm.s32 @!p1 $0x1082;
	[sflag:s4] =	ssyncset.s32 $0xFFFFF086  }
0x25: {  	[simem:s6], [sflag:s4] =	dma.local [hbm:s3], $0xF7A  }
0x26: {  	[smem:$0x3F9E] =	sst s1;
	(tag) =	ssettag s2;
	_ =	strace s9  }
0x27: {  	s1 =	sld [smem:$0x3FAE]  }
0x28: {  	s2 =	sld [smem:$0x3FAF]  }
0x29: {  	s4 =	sld [smem:$0x3FB1]  }
0x2a: {  	p0 =	seq.s32 s5, $0x0;
	s5 =	sld [smem:$0x3FB2]  }
0x2b: {  	s6 =	sld [smem:$0x3FB3]  }
0x2c: {  	s7 =	sld [smem:$0x3FB4]  }
0x2d: {  	s3 =	simm.s32 $0x108;
	s8 =	sld [smem:$0x3FB5]  }
0x2e: {  	s3 =	simm.s32 @!p0 $0x1082;
	s9 =	sld [smem:$0x3FB6]  }
0x2f: {  	lr =	sadd.s32 s0, s3;
	s0 =	sld [smem:$0x3FAD]  }
0x30: {  	s3 =	sld [smem:$0x3FB0]  }
0x31: {  	[smem:$0x3FB9] =	sst s10  }
0x32: {  	s10 =	sld [smem:$0x3FB7];
	_ =	sdelay $0x3  }
0x33: {  	p0 =	seq.s32 s10, $0x1;
	s10 =	sld [smem:$0x3FB9];
	_ =	sdelay $0x3  }
0x34: {  	[smem:$0x3FB9] =	sst s10  }
0x35: {  	s10 =	sld [smem:$0x3FB8];
	_ =	sdelay $0x3  }
0x36: {  	p1 =	seq.s32 s10, $0x1;
	s10 =	sld [smem:$0x3FB9];
	_ =	sdelay $0x3  }
0x37: {  	[smem:$0x3FB9] =	sst s10  }
0x38: {  	s10 =	sld [smem:$0x3FBA]  }
0x39: {  	_ = 	snop;
	(pc) =	sbr.ind lr, $3  }
0x3a: {  	_ = 	snop  }
0x3b: {  	_ = 	snop  }
0x3c: {  	p2 =	seq.s32 s10, $0x1;
	s10 =	sld [smem:$0x3FB9]  }
0x3d: {  	_ =	shalt  }
0x3e: {  	_ =	shalt  }
0x3f: {  	_ =	shalt  }
0x40: {  	_ =	shalt  }
0x41: {  	_ =	shalt  }
0x42: {  	_ =	shalt  }
0x43: {  	_ =	shalt  }
0x44: {  	_ =	shalt  }
0x45: {  	_ =	shalt  }
0x46: {  	_ =	shalt  }
0x47: {  	_ =	shalt  }
0x48: {  	_ =	shalt  }
0x49: {  	_ =	shalt  }
0x4a: {  	_ =	shalt  }
0x4b: {  	_ =	shalt  }
0x4c: {  	_ =	shalt  }
0x4d: {  	_ =	shalt  }
0x4e: {  	_ =	shalt  }
0x4f: {  	_ =	shalt  }
0x50: {  	_ =	shalt  }
0x51: {  	_ =	shalt  }
0x52: {  	_ =	shalt  }
0x53: {  	_ =	shalt  }
0x54: {  	_ =	shalt  }
0x55: {  	_ =	shalt  }
0x56: {  	_ =	shalt  }
0x57: {  	_ =	shalt  }
0x58: {  	_ =	shalt  }
0x59: {  	_ =	shalt  }
0x5a: {  	_ =	shalt  }
0x5b: {  	_ =	shalt  }
0x5c: {  	_ =	shalt  }
0x5d: {  	_ =	shalt  }
0x5e: {  	_ =	shalt  }
0x5f: {  	_ =	shalt  }
0x60: {  	_ =	shalt  }
0x61: {  	_ =	shalt  }
0x62: {  	_ =	shalt  }
0x63: {  	_ =	shalt  }
0x64: {  	_ =	shalt  }
0x65: {  	_ =	shalt  }
0x66: {  	_ =	shalt  }
0x67: {  	_ =	shalt  }
0x68: {  	_ =	shalt  }
0x69: {  	_ =	shalt  }
0x6a: {  	_ =	shalt  }
0x6b: {  	_ =	shalt  }
0x6c: {  	_ =	shalt  }
0x6d: {  	_ =	shalt  }
0x6e: {  	_ =	shalt  }
0x6f: {  	_ =	shalt  }
0x70: {  	_ =	shalt  }
0x71: {  	_ =	shalt  }
0x72: {  	_ =	shalt  }
0x73: {  	_ =	shalt  }
0x74: {  	_ =	shalt  }
0x75: {  	_ =	shalt  }
0x76: {  	_ =	shalt  }
0x77: {  	_ =	shalt  }
0x78: {  	_ =	shalt  }
0x79: {  	_ =	shalt  }
0x7a: {  	_ =	shalt  }
0x7b: {  	_ =	shalt  }
0x7c: {  	_ =	shalt  }
0x7d: {  	_ =	shalt  }
0x7e: {  	_ =	shalt  }
0x7f: {  	_ =	shalt  }
0x80: {  	_ =	shalt  }
0x81: {  	_ =	shalt  }
0x82: {  	_ =	shalt  }
0x83: {  	_ =	shalt  }
0x84: {  	_ =	shalt  }
0x85: {  	_ =	shalt  }
0x86: {  	_ =	shalt  }
0x87: {  	_ =	shalt  }
.Lfunc_end0:
.L_simem_size_0:
called_computation_lowered:
.L_overlay_start_0:
0x88: {  	s2 =	sld [smem:$0x3FD9]  }
0x89: {  	s3 =	sld [smem:$0x3FFE];
	_ =	sdelay $0x1  }
0x8a: {  	s1 =	srdreg.scid  }
0x8b: {  	s0 =	sand.u32 $0x1, s1  }
0x8c: {  	s17 =	sshll.u32 s0, $0xA;
	s2 =	sadd.s32 s3, s2  }
0x8d: {  	s2 =	sadd.s32 s2, s17  }
0x8e: {  	[smem:$0x3FC5] =	sst s2  }
0x8f: {  	_ = 	snop  }
0x90: {  	s2 =	sld [smem:$0x3FC9]  }
0x91: {  	s18 =	sld [smem:$0x3FC8]  }
0x92: {  	s4 =	sld [smem:$0x3FC7];
	(tm) =	ssettm $0x1  }
0x93: {  	s5 =	sld [smem:$0x3FFB];
	_ =	sdelay $0x3  }
0x94: {  	_ =	strace s5  }
0x95: {  	s5 =	sld [smem:$0x3FFC];
	_ =	sdelay $0x3  }
0x96: {  	_ =	strace s5  }
0x97: {  	s5 =	sld [smem:$0x3FFD];
	_ =	sdelay $0x3  }
0x98: {  	_ =	strace s5  }
0x99: {  	_ =	strace $0x8FFFFFFF  }
0x9a: {  	s19 =	sld [smem:$0x3FDB];
	_ =	sdelay $0x1  }
0x9b: {  	s6 =	simm.s32 $_scs_section_size  }
0x9c: {  	s7 =	simm.s32 $_size__tile_overlayer_lowered;
	s8 =	simm.s32 $_tile_overlayer_lowered  }
0x9d: {  	s22 =	simm.s32 $0x1BFF;
	s21 =	sshll.u32 s8, $0x1;
	s5 =	sadd.s32 s6, s19  }
0x9e: {  	s9 =	simm.s32 $0x0;
	s20 =	sshll.u32 s7, $0x1;
	s7 =	sadd.s32 s21, s5  }
0x9f: {  	[timem:s9], [sflag:s22] =	dma.local [hbm:s7], s20  }
0xa0: {  	_ =	swait.ge [sflag:s22], s20  }
0xa1: {  	s6 =	ssub.s32 $0x0, s20;
	[sflag:s22] =	ssyncset.done $0x0  }
0xa2: {  	[sflag:s22] =	ssyncadd.s32 s6;
	_ =	sdelay $0x1  }
0xa3: {  	s23 =	simm.s32 $0x1B8B  }
0xa4: {  	_ =	swait.ge [sflag:s23], $0x1  }
0xa5: {  	[sflag:s23] =	ssyncset.done $0x0  }
0xa6: {  	s25 =	simm.s32 $0x1B8E;
	s24 =	sld [smem:$0x3FFE];
	[sflag:s23] =	ssyncadd.s32 $0xFFFFFFFF  }
0xa7: {  	s26 =	simm.s32 $execute0_lowered;
	[smem:$0x3FD2] =	sst s25  }
0xa8: {  	s7 =	sshll.u32 s26, $0x1;
	_ =	strace $0x80000046;
	[dreg:$0x1] =	wrdreg $0xFFFFFFFF  }
0xa9: {  	s28 =	simm.s32 $_size_execute0_lowered;
	s5 =	sadd.s32 s5, s7;
	[dreg:$0x0] =	wrdreg $0x0  }
0xaa: {  	s7 =	sshll.u32 s28, $0x1;
	[dreg:$0x2] =	wrdreg s5  }
0xab: {  	[dreg:$0x3] =	wrdreg s7  }
0xac: {  	[dreg:$0x4] =	wrdreg $0xC0  }
0xad: {  	_ =	task [dreg:s9], $0x5FFFF  }
0xae: {  	[dreg:$0x1] =	wrdreg $0xFFFFFFFF  }
0xaf: {  	[dreg:$0x0] =	wrdreg $0x60  }
0xb0: {  	[dreg:$0x2] =	wrdreg s2  }
0xb1: {  	[dreg:$0x3] =	wrdreg s18  }
0xb2: {  	[dreg:$0x4] =	wrdreg s4  }
0xb3: {  	[dreg:$0x5] =	wrdreg s24  }
0xb4: {  	[dreg:$0x6] =	wrdreg $0x5B000  }
0xb5: {  	[dreg:$0x7] =	wrdreg $0x9  }
0xb6: {  	_ =	task.clear_ibuf [dreg:s9], $0x8FFFF;
	_ =	strace $0x90000046  }
0xb7: {  	s29 =	simm.s32 $0x9;
	_ =	strace $0x80000048  }
0xb8: {  	_ =	swait.ge [sflag:s29], $0x1  }
0xb9: {  	[sflag:s29] =	ssyncadd.s32 $0xFFFFFFFF  }
0xba: {  	_ =	strace $0x90000048  }
0xbb: {  	_ =	sfence  }
0xbc: {  	s30 =	sld [smem:$0x0];
	_ =	sdelay $0x2  }
0xbd: {  	s31 =	sshll.u32 s1, $0xD;
	s1 =	sshrl.u32 s1, $0x2  }
0xbe: {  	s3 =	sand.u32 $0x4000, s31;
	s1 =	sadd.s32 s1, s30  }
0xbf: {  	s0 =	sor.u32 s3, s0;
	s1 =	sshll.u32 s1, $0x11  }
0xc0: {  	s0 =	sor.u32 s1, s0  }
0xc1: {  	s0 =	sadd.s32 $0x8F2B, s0  }
0xc2: {  	[sflag:s0] =	ssyncadd.remote.s32 $0x1  }
0xc3: {  	_ =	sfence.sel $0xFFFF  }
0xc4: {  	[dreg:$0x0] =	wrdreg $0xFFFFFFFF;
	(pc) =	sbr.abs _section_cstart, $3  }
0xc5: {  	[dreg:$0x1] =	wrdreg $0xFFFFFFFF  }
0xc6: {  	_ =	task.clear_ibuf [dreg:s9], $0x2FFFF;
	_ =	strace $0x9FFFFFFF  }
0xc7: {  	(tm) =	ssettm $0x7FFFFFFF  }
tec
execute0_lowered:
.L_overlay_start_1:
0x0: {  	(tag) =	ssettag $0x1  }
0x1: {  	s0 =	rddreg [dreg:$0x0]  }
0x2: {  	s5 =	rddreg [dreg:$0x1]  }
0x3: {  	s13 =	rddreg [dreg:$0x2]  }
0x4: {  	s15 =	rddreg [dreg:$0x3]  }
0x5: {  	s1 =	rddreg [dreg:$0x4];
	s2 =	simm.s32 $0x0;
	s3 =	srdreg.scid  }
0x6: {  	s29 =	simm.s32 $0x20;
	s30 =	simm.s32 $0x10;
	[smem:$0x7FF] =	sst s2  }
0x7: {  	s16 =	sand.u32 $0x1, s3;
	s14 =	sadd.s32 $0x200, s15;
	s3 =	stileid.u32  }
0x8: {  	_ =	strace $0x80000047;
	s4 =	ssub.s32 $0x2, s16;
	s7 =	sshll.u32 s3, $0x7  }
0x9: {  	s8 =	sshll.u32 s16, $0x6;
	s17 =	sshll.u32 s3, $0x9;
	s12 =	sshll.u32 s3, $0x10  }
0xa: {  	s9 =	sshll.u32 s3, $0x11;
	s22 =	sshrl.u32 s3, $0x1;
	s26 =	sshll.u32 s16, $0x4  }
0xb: {  	s6 =	sshrl.u32 s4, $0x1;
	s28 =	sor.u32 s8, s7;
	s31 =	sor.u32 $0x80, s17  }
0xc: {  	s11 =	sor.u32 $0x100, s17;
	s18 =	ssub.s32 s4, s6;
	s4 =	sadd.s32 s0, s28  }
0xd: {  	s5 =	sadd.s32 s5, s28;
	s19 =	sshll.u32 s31, $0x7;
	s6 =	sadd.s32 s12, s1  }
0xe: {  	s20 =	sshll.u32 s11, $0x7;
	s12 =	sor.u32 $0x180, s17;
	s0 =	sshll.u32 s31, $0x8  }
0xf: {  	s28 =	sand.u32 $0x200, s17;
	s31 =	sshll.u32 s3, $0x5;
	s7 =	sadd.s32 s19, s1  }
0x10: {  	s19 =	sshll.u32 s16, $0x7;
	s8 =	sadd.s32 s20, s1;
	s10 =	sshll.u32 s12, $0x7  }
0x11: {  	s12 =	sshll.u32 s12, $0x8;
	s16 =	sor.u32 $0x4480, s28;
	s18 =	smax.u32 s18, $0x1  }
0x12: {  	s20 =	sor.u32 s19, s9;
	s9 =	sadd.s32 s10, s1;
	s0 =	sor.u32 s19, s0  }
0x13: {  	s21 =	sshrl.u32 s20, $0x3;
	s0 =	sshrl.u32 s0, $0x3;
	s20 =	smul.u32 $0x7A1400, s22  }
0x14: {  	s22 =	simm.s32 $0x80;
	s10 =	sadd.s32 s14, s21;
	s21 =	sshll.u32 s11, $0x8  }
0x15: {  	s11 =	sadd.s32 s14, s0;
	s23 =	sor.u32 s19, s21;
	s19 =	sor.u32 s19, s12  }
0x16: {  	s20 =	sshrl.u32 s20, $0x3;
	s21 =	simm.s32 $0x400;
	s0 =	sshrl.u32 s23, $0x3  }
0x17: {  	s24 =	sshrl.u32 s19, $0x3;
	s25 =	sadd.s32 s13, s20;
	s19 =	simm.s32 $0x1  }
0x18: {  	s20 =	simm.s32 $0x200;
	s23 =	simm.s32 $0x0;
	s12 =	sadd.s32 s14, s0  }
0x19: {  	s13 =	sadd.s32 s14, s24;
	s14 =	sadd.s32 $0xF4000, s25;
	s0 =	sadd.s32 s15, s26  }
0x1a: {  	v0 =	vimm.f32 $0.0e+00;
	s15 =	sadd.s32 $0xF4000, s1;
	s17 =	sadd.s32 s31, s0;
	s0 =	simm.s32 $0x4400  }
.LBB2_1:
0x1b: {  	[tilespmem:s2], [sflag:$0x1] =	stream.linear.gather [hbm4b:s4+s2], $0x200, $0x38;
	[tilespmem:$0x15B00] =	vst v63  }
0x1c: {  	_ =	swait.ge [sflag:s19], $0x200  }
0x1d: {  	[sflag:s19] =	ssyncset.done $0x0  }
0x1e: {  	[sflag:s19] =	ssyncadd.s32 $0xFFFFFE00  }
0x1f: {  	[tilespmem:s20], [sflag:$0x1] =	stream.linear.gather [hbm4b:s5+s2], $0x200, $0x38;
	[tilespmem:$0x15B00] =	vst v63  }
0x20: {  	_ =	swait.ge [sflag:s19], $0x200  }
0x21: {  	[sflag:s19] =	ssyncset.done $0x0  }
0x22: {  	s24 =	simm.s32 $0x40;
	s25 =	simm.s32 $0x0;
	[sflag:s19] =	ssyncadd.s32 $0xFFFFFE00  }
.LBB2_2:
0x23: {  	p0 =	sne.s32 s24, $0xFFC0;
	[tilespmem:s25+$0x400] =	vst v0;
	s25 =	smov.u32 s24;
	s24 =	sadd.s32 $0x40, s24  }
.Ltmp0:
0x24: {  	(pc) =	sbr.rel @p0 .LBB2_2-.Ltmp0, $2  }
0x25: {  	_ =	sdelay $0x2  }
0x26: {  	s25 =	sshra.s32 s25, $0x2  }
0x27: {  	[tilespmem:s25+$0x400] =	vst v0  }
0x28: {  	[spmem:s6] =	stream.linear.scatter [tilespmem:s21], [sflag:$0x1], $0x4000, $0x38;
	[tilespmem:$0x15B00] =	vst v63  }
0x29: {  	_ =	swait.ge [sflag:s19], $0x4000  }
0x2a: {  	[sflag:s19] =	ssyncset.done $0x0  }
0x2b: {  	[sflag:s19] =	ssyncadd.s32 $0xFFFFC000  }
0x2c: {  	[spmem:s7] =	stream.linear.scatter [tilespmem:s21], [sflag:$0x1], $0x4000, $0x38;
	[tilespmem:$0x15B00] =	vst v63  }
0x2d: {  	_ =	swait.ge [sflag:s19], $0x4000  }
0x2e: {  	[sflag:s19] =	ssyncset.done $0x0  }
0x2f: {  	[sflag:s19] =	ssyncadd.s32 $0xFFFFC000  }
0x30: {  	[spmem:s8] =	stream.linear.scatter [tilespmem:s21], [sflag:$0x1], $0x4000, $0x38;
	[tilespmem:$0x15B00] =	vst v63  }
0x31: {  	_ =	swait.ge [sflag:s19], $0x4000  }
0x32: {  	[sflag:s19] =	ssyncset.done $0x0  }
0x33: {  	[sflag:s19] =	ssyncadd.s32 $0xFFFFC000  }
0x34: {  	[spmem:s9] =	stream.linear.scatter [tilespmem:s21], [sflag:$0x1], $0x4000, $0x38;
	[tilespmem:$0x15B00] =	vst v63  }
0x35: {  	_ =	swait.ge [sflag:s19], $0x4000  }
0x36: {  	[sflag:s19] =	ssyncset.done $0x0  }
0x37: {  	[sflag:s19] =	ssyncadd.s32 $0xFFFFC000  }
0x38: {  	s24 =	simm.s32 $0x0;
	[bflag:$0x0] =	sbarrier.arrive $0xFFFF  }
0x39: {  	[spmem:s1] =	stream.indirect.scatter.add.f32 [tilespmem:s20], [sflag:$0x1], $0x1, s24, s22, $0xb8;
	[tilespmem:$0x15B00] =	vst v63  }
0x3a: {  	_ =	swait.ge [sflag:s19], $0x80  }
0x3b: {  	[sflag:s19] =	ssyncset.done $0x0  }
0x3c: {  	s28 =	simm.s32 $0x280;
	[sflag:s19] =	ssyncadd.s32 $0xFFFFFF80  }
0x3d: {  	[spmem:s1] =	stream.indirect.scatter.add.f32 [tilespmem:s28], [sflag:$0x1], $0x1, s22, s22, $0xb8;
	[tilespmem:$0x15B00] =	vst v63  }
0x3e: {  	_ =	swait.ge [sflag:s19], $0x80  }
0x3f: {  	[sflag:s19] =	ssyncset.done $0x0  }
0x40: {  	s31 =	simm.s32 $0x100;
	s26 =	simm.s32 $0x300;
	[sflag:s19] =	ssyncadd.s32 $0xFFFFFF80  }
0x41: {  	[spmem:s1] =	stream.indirect.scatter.add.f32 [tilespmem:s26], [sflag:$0x1], $0x1, s31, s22, $0xb8;
	[tilespmem:$0x15B00] =	vst v63  }
0x42: {  	_ =	swait.ge [sflag:s19], $0x80  }
0x43: {  	[sflag:s19] =	ssyncset.done $0x0  }
0x44: {  	s28 =	simm.s32 $0x180;
	s31 =	simm.s32 $0x380;
	[sflag:s19] =	ssyncadd.s32 $0xFFFFFF80  }
0x45: {  	[spmem:s1] =	stream.indirect.scatter.add.f32 [tilespmem:s31], [sflag:$0x1], $0x1, s28, s22, $0xb8;
	[tilespmem:$0x15B00] =	vst v63  }
0x46: {  	_ =	swait.ge [sflag:s19], $0x80  }
0x47: {  	[sflag:s19] =	ssyncset.done $0x0  }
0x48: {  	[sflag:s19] =	ssyncadd.s32 $0xFFFFFF80  }
0x49: {  	v1 =	vld [tilespmem:$0x200];
	_ =	sdelay $0x1  }
0x4a: {  	v2 =	vld [tilespmem:$0x210];
	_ =	sdelay $0x1  }
0x4b: {  	v3 =	vld [tilespmem:$0x220]  }
0x4c: {  	v1 =	vadd.f32 $0.0e+00, v1  }
0x4d: {  	v4 =	vld [tilespmem:$0x230]  }
0x4e: {  	v1 =	vadd.f32 v2, v1  }
0x4f: {  	v2 =	vld [tilespmem:$0x240]  }
0x50: {  	v1 =	vadd.f32 v3, v1  }
0x51: {  	v3 =	vld [tilespmem:$0x250]  }
0x52: {  	v1 =	vadd.f32 v4, v1  }
0x53: {  	v4 =	vld [tilespmem:$0x260]  }
0x54: {  	v1 =	vadd.f32 v2, v1  }
0x55: {  	v2 =	vld [tilespmem:$0x270]  }
0x56: {  	v1 =	vadd.f32 v3, v1  }
0x57: {  	v3 =	vld [tilespmem:$0x280]  }
0x58: {  	v1 =	vadd.f32 v4, v1  }
0x59: {  	v4 =	vld [tilespmem:$0x290]  }
0x5a: {  	v1 =	vadd.f32 v2, v1  }
0x5b: {  	v2 =	vld [tilespmem:$0x2A0]  }
0x5c: {  	v1 =	vadd.f32 v3, v1  }
0x5d: {  	v3 =	vld [tilespmem:$0x2B0]  }
0x5e: {  	v1 =	vadd.f32 v4, v1  }
0x5f: {  	v4 =	vld [tilespmem:$0x2C0]  }
0x60: {  	v1 =	vadd.f32 v2, v1  }
0x61: {  	v2 =	vld [tilespmem:$0x2D0]  }
0x62: {  	v1 =	vadd.f32 v3, v1  }
0x63: {  	v3 =	vld [tilespmem:$0x2E0]  }
0x64: {  	v1 =	vadd.f32 v4, v1  }
0x65: {  	v4 =	vld [tilespmem:$0x2F0]  }
0x66: {  	v1 =	vadd.f32 v2, v1  }
0x67: {  	v2 =	vld [tilespmem:$0x300]  }
0x68: {  	v1 =	vadd.f32 v3, v1  }
0x69: {  	v3 =	vld [tilespmem:$0x310]  }
0x6a: {  	v1 =	vadd.f32 v4, v1  }
0x6b: {  	v4 =	vld [tilespmem:$0x320]  }
0x6c: {  	v1 =	vadd.f32 v2, v1  }
0x6d: {  	v2 =	vld [tilespmem:$0x330]  }
0x6e: {  	v1 =	vadd.f32 v3, v1  }
0x6f: {  	v3 =	vld [tilespmem:$0x340]  }
0x70: {  	v1 =	vadd.f32 v4, v1  }
0x71: {  	v4 =	vld [tilespmem:$0x350]  }
0x72: {  	v1 =	vadd.f32 v2, v1  }
0x73: {  	v2 =	vld [tilespmem:$0x360]  }
0x74: {  	v1 =	vadd.f32 v3, v1  }
0x75: {  	v3 =	vld [tilespmem:$0x370]  }
0x76: {  	v1 =	vadd.f32 v4, v1  }
0x77: {  	v4 =	vld [tilespmem:$0x380]  }
0x78: {  	v1 =	vadd.f32 v2, v1  }
0x79: {  	v2 =	vld [tilespmem:$0x390]  }
0x7a: {  	v1 =	vadd.f32 v3, v1  }
0x7b: {  	v3 =	vld [tilespmem:$0x3A0]  }
0x7c: {  	v1 =	vadd.f32 v4, v1  }
0x7d: {  	v4 =	vld [tilespmem:$0x3B0]  }
0x7e: {  	v1 =	vadd.f32 v2, v1  }
0x7f: {  	v2 =	vld [tilespmem:$0x3C0]  }
0x80: {  	v1 =	vadd.f32 v3, v1  }
0x81: {  	v3 =	vld [tilespmem:$0x3D0]  }
0x82: {  	v1 =	vadd.f32 v4, v1  }
0x83: {  	v4 =	vld [tilespmem:$0x3E0]  }
0x84: {  	v1 =	vadd.f32 v2, v1  }
0x85: {  	v2 =	vld [tilespmem:$0x3F0]  }
0x86: {  	v1 =	vadd.f32 v3, v1;
	_ =	sdelay $0x1  }
0x87: {  	v1 =	vadd.f32 v4, v1;
	_ =	sdelay $0x1  }
0x88: {  	v2 =	vadd.f32 v2, v1;
	v1 =	vimm.f32 $0.0e+00  }
0x89: {  	[tilespmem:$0x4450] =	vst v1  }
0x8a: {  	[tilespmem:$0x4460] =	vst v1  }
0x8b: {  	[tilespmem:$0x4470] =	vst v1  }
0x8c: {  	s26 =	sshll.u32 s3, $0x6;
	[tilespmem:$0x4400] =	vst v2  }
0x8d: {  	s25 =	sor.u32 $0x1C01, s26;
	s28 =	sshrl.u32 s6, $0x3;
	[bflag:$0x0] =	sbarrier.arrive $0xFFFF  }
0x8e: {  	[hbm:s10@s29], [sflag:s25] =	dma.strided [spmem:s28@s30], $0x800, s19, $0x10   }
0x8f: {  	_ =	swait.ge [sflag:s19], $0x800  }
0x90: {  	[sflag:s19] =	ssyncset.done $0x0  }
0x91: {  	s31 =	sshrl.u32 s7, $0x3;
	[sflag:s19] =	ssyncadd.s32 $0xFFFFF800  }
0x92: {  	[hbm:s11@s29], [sflag:s25] =	dma.strided [spmem:s31@s30], $0x800, s19, $0x10   }
0x93: {  	_ =	swait.ge [sflag:s19], $0x800  }
0x94: {  	[sflag:s19] =	ssyncset.done $0x0  }
0x95: {  	s28 =	sshrl.u32 s8, $0x3;
	[sflag:s19] =	ssyncadd.s32 $0xFFFFF800  }
0x96: {  	[hbm:s12@s29], [sflag:s25] =	dma.strided [spmem:s28@s30], $0x800, s19, $0x10   }
0x97: {  	_ =	swait.ge [sflag:s19], $0x800  }
0x98: {  	[sflag:s19] =	ssyncset.done $0x0  }
0x99: {  	s31 =	sshrl.u32 s9, $0x3;
	[sflag:s19] =	ssyncadd.s32 $0xFFFFF800  }
0x9a: {  	[hbm:s13@s29], [sflag:s25] =	dma.strided [spmem:s31@s30], $0x800, s19, $0x10   }
0x9b: {  	_ =	swait.ge [sflag:s19], $0x800  }
0x9c: {  	[sflag:s19] =	ssyncset.done $0x0  }
0x9d: {  	s28 =	simm.s32 $0x4480;
	[sflag:s19] =	ssyncadd.s32 $0xFFFFF800  }
0x9e: {  	[tilespmem:s28], [sflag:$0x1] =	stream.linear.gather [hbm4b:s14+s24], $0x1400, $0x38;
	[tilespmem:$0x15B00] =	vst v63  }
0x9f: {  	_ =	swait.ge [sflag:s19], $0x1400  }
0xa0: {  	[sflag:s19] =	ssyncset.done $0x0  }
0xa1: {  	s25 =	simm.s32 $0x5880;
	[sflag:s19] =	ssyncadd.s32 $0xFFFFEC00  }
0xa2: {  	[tilespmem:s25], [sflag:$0x1] =	stream.linear.gather [spmem:s15], $0x240, $0x38;
	[tilespmem:$0x15B00] =	vst v63  }
0xa3: {  	s31 =	sand.u32 $0x7000, s24;
	_ =	swait.ge [sflag:s19], $0x240  }
0xa4: {  	s26 =	sshrl.u32 s31, $0x2;
	[sflag:s19] =	ssyncset.done $0x0  }
0xa5: {  	s26 =	sadd.s32 s26, s16;
	s24 =	sand.u32 $0x70, s24;
	[sflag:s19] =	ssyncadd.s32 $0xFFFFFDC0  }
0xa6: {  	s26 =	sadd.s32 s24, s26;
	v2 =	vld [tilespmem:s25+$0x0]  }
0xa7: {  	s24 =	simm.s32 $0x10;
	v3 =	vld [tilespmem:s26+$0x0];
	s26 =	simm.s32 $0x200  }
.LBB2_4:
0xa8: {  	s28 =	sand.u32 $0x7000, s26  }
0xa9: {  	p0 =	sne.s32 s24, $0x230;
	s31 =	smov.u32 s24;
	s24 =	sadd.s32 $0x10, s24  }
.Ltmp1:
0xaa: {  	s28 =	sshrl.u32 s28, $0x2;
	(pc) =	sbr.rel @p0 .LBB2_4-.Ltmp1, $4  }
0xab: {  	s25 =	sadd.s32 $0x10, s25;
	s31 =	sand.u32 $0x70, s31;
	s28 =	sadd.s32 s28, s16  }
0xac: {  	s28 =	sadd.s32 s31, s28;
	v4 =	vmul.f32 v2, v3;
	v2 =	vld [tilespmem:s25+$0x0]  }
0xad: {  	v3 =	vld [tilespmem:s28+$0x0]  }
0xae: {  	s26 =	sadd.s32 $0x200, s26;
	v1 =	vadd.f32 v4, v1  }
0xaf: {  	_ =	sdelay $0x2  }
0xb0: {  	v2 =	vmul.f32 v2, v3  }
0xb1: {  	s25 =	simm.s32 $0x0  }
0xb2: {  	s24 =	sand.u32 $0x7000, s25;
	v1 =	vadd.f32 v2, v1  }
0xb3: {  	s26 =	sshrl.u32 s24, $0x2  }
0xb4: {  	s25 =	sand.u32 $0x70, s25;
	s24 =	simm.s32 $0x5880;
	s26 =	sadd.s32 s26, s16;
	[tilespmem:$0x4410] =	vst v1  }
0xb5: {  	s26 =	sadd.s32 s25, s26;
	v2 =	vld [tilespmem:s24+$0x0]  }
0xb6: {  	s25 =	simm.s32 $0x10;
	v1 =	vimm.f32 $0.0e+00;
	v3 =	vld [tilespmem:s26+$0x80];
	s26 =	simm.s32 $0x200  }
.LBB2_6:
0xb7: {  	s28 =	sand.u32 $0x7000, s26  }
0xb8: {  	p0 =	sne.s32 s25, $0x230;
	s31 =	smov.u32 s25;
	s25 =	sadd.s32 $0x10, s25  }
.Ltmp2:
0xb9: {  	s28 =	sshrl.u32 s28, $0x2;
	(pc) =	sbr.rel @p0 .LBB2_6-.Ltmp2, $4  }
0xba: {  	s24 =	sadd.s32 $0x10, s24;
	s31 =	sand.u32 $0x70, s31;
	s28 =	sadd.s32 s28, s16  }
0xbb: {  	s28 =	sadd.s32 s31, s28;
	v4 =	vmul.f32 v2, v3;
	v2 =	vld [tilespmem:s24+$0x0]  }
0xbc: {  	v3 =	vld [tilespmem:s28+$0x80]  }
0xbd: {  	s26 =	sadd.s32 $0x200, s26;
	v1 =	vadd.f32 v4, v1  }
0xbe: {  	_ =	sdelay $0x2  }
0xbf: {  	v2 =	vmul.f32 v2, v3  }
0xc0: {  	s25 =	simm.s32 $0x0  }
0xc1: {  	s24 =	sand.u32 $0x7000, s25;
	v1 =	vadd.f32 v2, v1  }
0xc2: {  	s26 =	sshrl.u32 s24, $0x2  }
0xc3: {  	s25 =	sand.u32 $0x70, s25;
	s24 =	simm.s32 $0x5880;
	s26 =	sadd.s32 s26, s16;
	[tilespmem:$0x4420] =	vst v1  }
0xc4: {  	s26 =	sadd.s32 s25, s26;
	v2 =	vld [tilespmem:s24+$0x0]  }
0xc5: {  	s25 =	simm.s32 $0x10;
	v1 =	vimm.f32 $0.0e+00;
	v3 =	vld [tilespmem:s26+$0x100];
	s26 =	simm.s32 $0x200  }
.LBB2_8:
0xc6: {  	s28 =	sand.u32 $0x7000, s26  }
0xc7: {  	p0 =	sne.s32 s25, $0x230;
	s31 =	smov.u32 s25;
	s25 =	sadd.s32 $0x10, s25  }
.Ltmp3:
0xc8: {  	s28 =	sshrl.u32 s28, $0x2;
	(pc) =	sbr.rel @p0 .LBB2_8-.Ltmp3, $4  }
0xc9: {  	s24 =	sadd.s32 $0x10, s24;
	s31 =	sand.u32 $0x70, s31;
	s28 =	sadd.s32 s28, s16  }
0xca: {  	s28 =	sadd.s32 s31, s28;
	v4 =	vmul.f32 v2, v3;
	v2 =	vld [tilespmem:s24+$0x0]  }
0xcb: {  	v3 =	vld [tilespmem:s28+$0x100]  }
0xcc: {  	s26 =	sadd.s32 $0x200, s26;
	v1 =	vadd.f32 v4, v1  }
0xcd: {  	_ =	sdelay $0x2  }
0xce: {  	v2 =	vmul.f32 v2, v3  }
0xcf: {  	s25 =	simm.s32 $0x0  }
0xd0: {  	s24 =	sand.u32 $0x7000, s25;
	v1 =	vadd.f32 v2, v1  }
0xd1: {  	s26 =	sshrl.u32 s24, $0x2  }
0xd2: {  	s25 =	sand.u32 $0x70, s25;
	s24 =	simm.s32 $0x5880;
	s26 =	sadd.s32 s26, s16;
	[tilespmem:$0x4430] =	vst v1  }
0xd3: {  	s26 =	sadd.s32 s25, s26;
	v2 =	vld [tilespmem:s24+$0x0]  }
0xd4: {  	s25 =	simm.s32 $0x10;
	v1 =	vimm.f32 $0.0e+00;
	v3 =	vld [tilespmem:s26+$0x180];
	s26 =	simm.s32 $0x200  }
.LBB2_10:
0xd5: {  	s28 =	sand.u32 $0x7000, s26  }
0xd6: {  	p0 =	sne.s32 s25, $0x230;
	s31 =	smov.u32 s25;
	s25 =	sadd.s32 $0x10, s25  }
.Ltmp4:
0xd7: {  	s28 =	sshrl.u32 s28, $0x2;
	(pc) =	sbr.rel @p0 .LBB2_10-.Ltmp4, $4  }
0xd8: {  	s24 =	sadd.s32 $0x10, s24;
	s31 =	sand.u32 $0x70, s31;
	s28 =	sadd.s32 s28, s16  }
0xd9: {  	s28 =	sadd.s32 s31, s28;
	v4 =	vmul.f32 v2, v3;
	v2 =	vld [tilespmem:s24+$0x0]  }
0xda: {  	v3 =	vld [tilespmem:s28+$0x180]  }
0xdb: {  	s26 =	sadd.s32 $0x200, s26;
	v1 =	vadd.f32 v4, v1  }
0xdc: {  	_ =	sdelay $0x2  }
0xdd: {  	v2 =	vmul.f32 v2, v3;
	_ =	sdelay $0x1  }
0xde: {  	s23 =	sadd.s32 $0x1, s23;
	v1 =	vadd.f32 v2, v1  }
0xdf: {  	p0 =	sne.s32 s23, s18  }
.Ltmp5:
0xe0: {  	[tilespmem:$0x4440] =	vst v1;
	(pc) =	sbr.rel @p0 .LBB2_1-.Ltmp5, $4  }
0xe1: {  	[hbm4b:s17+s2] =	stream.linear.scatter [tilespmem:s0], [sflag:$0x1], $0x80, $0x38;
	[tilespmem:$0x15B00] =	vst v63  }
0xe2: {  	_ =	swait.ge [sflag:s19], $0x80  }
0xe3: {  	[sflag:s19] =	ssyncset.done $0x0  }
0xe4: {  	[sflag:s19] =	ssyncadd.s32 $0xFFFFFF80  }
0xe5: {  	_ =	sfence.sel $0x180000  }
0xe6: {  	[bflag:$0x0] =	sbarrier.arrive $0xFFFF  }
0xe7: {  	_ =	strace $0x90000047  }
0xe8: {  	[bflag:$0x2] =	sbarrier.arrive $0xFFFF  }
0xe9: {  	p0 =	sne.s32 s3, $0x0;
	s0 =	rddreg [dreg:$0x5]  }
0xea: {  	s0 =	sadd.s32 @!p0 $0x100000, s0  }
0xeb: {  	[sflag:s0] =	ssyncadd.tile.s32 @!p0 $0x1;
	_ =	shalt  }
.Lfunc_end2:
_tile_overlayer_lowered:
.L_overlay_start_2:
0xec: {  	(tag) =	ssettag $0x2  }
0xed: {  	s0 =	rddreg [dreg:$0x0];
	s2 =	stileid.u32  }
0xee: {  	s1 =	rddreg [dreg:$0x1];
	p0 =	sne.s32 s2, $0x0  }
0xef: {  	s3 =	rddreg [dreg:$0x2];
	[bflag:$0x3] =	sbarrier.arrive $0xFFFF;
	s2 =	simm.s32 @!p0 $0x1C01  }
0xf0: {  	[timem:s3], [sflag:s2] =	dma.local @!p0 [hbm:s0], s1  }
0xf1: {  	s0 =	simm.s32 @!p0 $0x1  }
0xf2: {  	_ =	swait.ge @!p0 [sflag:s0], s1  }
0xf3: {  	s1 =	ssub.s32 @!p0 $0x0, s1;
	[sflag:s0] =	ssyncset.done @!p0 $0x0  }
0xf4: {  	[sflag:s0] =	ssyncadd.s32 @!p0 s1  }
0xf5: {  	[bflag:$0x3] =	sbarrier.arrive $0xFFFF  }
0xf6: {  	_ =	shalt  }

</sc_bundles>
